<compile_context>
chip_gen: v7x
topology: tpu7x:2x2x1
jax: 0.10.2.dev20260603
libtpu: 0.0.44.dev20260713+nightly
codegen_flags: <defaults>
</compile_context>

<pallas_src>
import jax
import jax.numpy as jnp
from jax import lax
from jax.experimental import pallas as pl
from jax.experimental.pallas import tpu as pltpu
from jax.experimental.pallas import tpu_sc as plsc

VOCAB = 1000000
DIM = 64
B = 4096
L = 50

NC, NS = 2, 16
NW = NC * NS
TOTAL = B * L
PER_W = TOTAL // NW
N_CHUNK = 8
CH = PER_W // N_CHUNK


def _body(idx_hbm, table_hbm, out_hbm, idx_v, bufs, gsem, wsem):
    wid = lax.axis_index("s") * NC + lax.axis_index("c")
    base = wid * PER_W
    pltpu.sync_copy(idx_hbm.at[pl.ds(base, PER_W)], idx_v)

    gd = {}
    wd = {}
    for c in range(N_CHUNK):
        b = c % 2
        if c == 0:
            gd[0] = pltpu.async_copy(
                table_hbm.at[idx_v.at[pl.ds(0, CH)]], bufs.at[0], gsem.at[0])
        if c + 1 < N_CHUNK:
            nb = (c + 1) % 2
            if c - 1 >= 0:
                wd[c - 1].wait()
            gd[c + 1] = pltpu.async_copy(
                table_hbm.at[idx_v.at[pl.ds((c + 1) * CH, CH)]],
                bufs.at[nb], gsem.at[nb])
        gd[c].wait()
        wd[c] = pltpu.async_copy(
            bufs.at[b], out_hbm.at[pl.ds(base + c * CH, CH)], wsem.at[b])
    wd[N_CHUNK - 2].wait()
    wd[N_CHUNK - 1].wait()


@jax.jit
def _embed(x_flat, E):
    mesh = plsc.VectorSubcoreMesh(core_axis_name="c", subcore_axis_name="s")
    return pl.kernel(
        _body,
        out_type=jax.ShapeDtypeStruct((TOTAL, DIM), jnp.float32),
        mesh=mesh,
        scratch_types=[
            pltpu.VMEM((PER_W,), jnp.int32),
            pltpu.VMEM((2, CH, DIM), jnp.float32),
            pltpu.SemaphoreType.DMA((2,)),
            pltpu.SemaphoreType.DMA((2,)),
        ],
        compiler_params=pltpu.CompilerParams(use_tc_tiling_on_sc=False),
    )(x_flat, E)


def kernel(x, E):
    flat = x.reshape(-1).astype(jnp.int32)
    out = _embed(flat, E)
    return out.reshape(x.shape[0], x.shape[1], E.shape[1])

# --- scband reference (transcript-rebuilt; emitter-appended) ---
"""Pipeline reference for scband-tree-embedding-layer-6055903887871 (READ-ONLY COPY).

The authoritative reference and input builder live on the scoring server;
editing this copy changes nothing except your own understanding.
"""

import jax, jax.numpy as jnp
import numpy as np

VOCAB = 1000000
DIM = 64
B = 4096
L = 50

def setup_inputs(seed: int = 0) -> dict:
    key = jax.random.key(seed)
    k1, k2 = jax.random.split(key)
    x = jax.random.randint(k1, (B, L), 0, VOCAB, dtype=jnp.int64) if jax.config.jax_enable_x64 else jax.random.randint(k1, (B, L), 0, VOCAB, dtype=jnp.int32)
    # Embedding table, keras RandomUniform default range (-0.05, 0.05)
    E = jax.random.uniform(k2, (VOCAB, DIM), dtype=jnp.float32, minval=-0.05, maxval=0.05)
    return {"x": x, "E": E}

def reference(x, E):
    # Original: x is a list of index tensors (here: rows of a [B, L] tensor).
    # lengths = [L] * B; concat -> [B*L]; embedding_lookup -> [B*L, D]; split -> B tensors of [L, D].
    flat = x.reshape(-1)
    embeddings = jnp.take(E, flat, axis=0)
    # tf.split back into per-row chunks == reshape to [B, L, D] (stacked list)
    return embeddings.reshape(x.shape[0], x.shape[1], E.shape[1])

if __name__ == "__main__":
    import jax
    _d = setup_inputs()
    print(jax.jit(kernel)(*tuple(_d.values())))

</pallas_src>

<mosaic_0001>
#map = affine_map<(d0, d1) -> (0)>
#map1 = affine_map<(d0, d1) -> (0, 0)>
module attributes {stable_mosaic.version = 14 : i64} {
  func.func @_body(%arg0: i32, %arg1: i32, %arg2: memref<204800xi32, #tpu.memory_space<hbm>>, %arg3: memref<1000000x64xf32, #tpu.memory_space<hbm>>, %arg4: memref<204800x64xf32, #tpu.memory_space<hbm>>, %arg5: memref<6400xi32, #tpu.memory_space<vmem>>, %arg6: memref<2x800x64xf32, #tpu.memory_space<vmem>>, %arg7: memref<2x!tpu.dma_semaphore, #tpu.memory_space<semaphore_mem>>, %arg8: memref<2x!tpu.dma_semaphore, #tpu.memory_space<semaphore_mem>>) attributes {dimension_semantics = [#tpu.dimension_semantics<core_parallel>, #tpu.dimension_semantics<subcore_parallel>], iteration_bounds = array<i64: 2, 16>, scalar_prefetch = 0 : i64, scratch_operands = 4 : i64, tpu.core_type = #tpu.core_type<sc_vector_subcore>, window_params = [{transform_indices = #map}, {transform_indices = #map1}, {transform_indices = #map1}]} {
    %mul3A = arith.constant 2 : i32
    %mul3A_0 = arith.muli %arg1, %mul3A : i32
    %add3A = arith.addi %mul3A_0, %arg0 : i32
    %mul3A_1 = arith.constant 6400 : i32
    %mul3A_2 = arith.muli %add3A, %mul3A_1 : i32
    "tpu.region"() ({
      %run_scoped3A = tpu.sem_alloc : memref<!tpu.dma_semaphore, #tpu.memory_space<semaphore_mem>>
      %dma_start3A_481 = tpu.memref_slice %arg2[%mul3A_2] : memref<204800xi32, #tpu.memory_space<hbm>> -> memref<6400xi32, #tpu.memory_space<hbm>>
      %dma_start3A_482 = tpu.memref_slice %arg2[%mul3A_2] : memref<204800xi32, #tpu.memory_space<hbm>> -> memref<6400xi32, #tpu.memory_space<hbm>>
      tpu.enqueue_dma source(%dma_start3A_482 : memref<6400xi32, #tpu.memory_space<hbm>>) target(%arg5 : memref<6400xi32, #tpu.memory_space<vmem>>) target_semaphore(%run_scoped3A : memref<!tpu.dma_semaphore, #tpu.memory_space<semaphore_mem>>)
      %dma_wait3A_483 = tpu.memref_slice %arg2[%mul3A_2] : memref<204800xi32, #tpu.memory_space<hbm>> -> memref<6400xi32, #tpu.memory_space<hbm>>
      %dma_wait3A_484 = tpu.memref_slice %arg2[%mul3A_2] : memref<204800xi32, #tpu.memory_space<hbm>> -> memref<6400xi32, #tpu.memory_space<hbm>>
      tpu.wait_dma2 semaphore(%run_scoped3A : memref<!tpu.dma_semaphore, #tpu.memory_space<semaphore_mem>>) src(%dma_wait3A_484 : memref<6400xi32, #tpu.memory_space<hbm>>) dst(%arg5 : memref<6400xi32, #tpu.memory_space<vmem>>)
      tpu.yield
    }) : () -> ()
    %dma_start3A = arith.constant 0 : i32
    %dma_start3A_3 = arith.constant 0 : i32
    %dma_start3A_4 = arith.constant 0 : i32
    %dma_start3A_5 = arith.constant 0 : i32
    %dma_start3A_6 = tpu.memref_slice %arg6[%dma_start3A, %dma_start3A_4, %dma_start3A_5] : memref<2x800x64xf32, #tpu.memory_space<vmem>> -> memref<1x800x64xf32, #tpu.memory_space<vmem>>
    %dma_start3A_7 = tpu.memref_squeeze %dma_start3A_6 : memref<1x800x64xf32, #tpu.memory_space<vmem>> -> memref<800x64xf32, #tpu.memory_space<vmem>>
    %dma_start3A_8 = arith.constant 0 : i32
    %dma_start3A_9 = tpu.memref_slice %arg5[%dma_start3A_8] : memref<6400xi32, #tpu.memory_space<vmem>> -> memref<800xi32, #tpu.memory_space<vmem>>
    %dma_start3A_10 = arith.constant 0 : i32
    %dma_start3A_11 = arith.constant 0 : i32
    %dma_start3A_12 = tpu.memref_slice %arg3[%dma_start3A_10, %dma_start3A_11] : memref<1000000x64xf32, #tpu.memory_space<hbm>> -> memref<1000000x64xf32, #tpu.memory_space<hbm>>
    %dma_start3A_13 = tpu.memref_slice %arg7[%dma_start3A_3] : memref<2x!tpu.dma_semaphore, #tpu.memory_space<semaphore_mem>> -> memref<1x!tpu.dma_semaphore, #tpu.memory_space<semaphore_mem>>
    %dma_start3A_14 = tpu.memref_squeeze %dma_start3A_13 : memref<1x!tpu.dma_semaphore, #tpu.memory_space<semaphore_mem>> -> memref<!tpu.dma_semaphore, #tpu.memory_space<semaphore_mem>>
    tpu.enqueue_indirect_dma source(%dma_start3A_12 : memref<1000000x64xf32, #tpu.memory_space<hbm>>) target(%dma_start3A_7 : memref<800x64xf32, #tpu.memory_space<vmem>>) offsets(%dma_start3A_9 : memref<800xi32, #tpu.memory_space<vmem>>) semaphore(%dma_start3A_14 : memref<!tpu.dma_semaphore, #tpu.memory_space<semaphore_mem>>)
    %dma_start3A_15 = arith.constant 1 : i32
    %dma_start3A_16 = arith.constant 1 : i32
    %dma_start3A_17 = arith.constant 0 : i32
    %dma_start3A_18 = arith.constant 0 : i32
    %dma_start3A_19 = tpu.memref_slice %arg6[%dma_start3A_15, %dma_start3A_17, %dma_start3A_18] : memref<2x800x64xf32, #tpu.memory_space<vmem>> -> memref<1x800x64xf32, #tpu.memory_space<vmem>>
    %dma_start3A_20 = tpu.memref_squeeze %dma_start3A_19 : memref<1x800x64xf32, #tpu.memory_space<vmem>> -> memref<800x64xf32, #tpu.memory_space<vmem>>
    %dma_start3A_21 = arith.constant 800 : i32
    %dma_start3A_22 = tpu.memref_slice %arg5[%dma_start3A_21] : memref<6400xi32, #tpu.memory_space<vmem>> -> memref<800xi32, #tpu.memory_space<vmem>>
    %dma_start3A_23 = arith.constant 0 : i32
    %dma_start3A_24 = arith.constant 0 : i32
    %dma_start3A_25 = tpu.memref_slice %arg3[%dma_start3A_23, %dma_start3A_24] : memref<1000000x64xf32, #tpu.memory_space<hbm>> -> memref<1000000x64xf32, #tpu.memory_space<hbm>>
    %dma_start3A_26 = tpu.memref_slice %arg7[%dma_start3A_16] : memref<2x!tpu.dma_semaphore, #tpu.memory_space<semaphore_mem>> -> memref<1x!tpu.dma_semaphore, #tpu.memory_space<semaphore_mem>>
    %dma_start3A_27 = tpu.memref_squeeze %dma_start3A_26 : memref<1x!tpu.dma_semaphore, #tpu.memory_space<semaphore_mem>> -> memref<!tpu.dma_semaphore, #tpu.memory_space<semaphore_mem>>
    tpu.enqueue_indirect_dma source(%dma_start3A_25 : memref<1000000x64xf32, #tpu.memory_space<hbm>>) target(%dma_start3A_20 : memref<800x64xf32, #tpu.memory_space<vmem>>) offsets(%dma_start3A_22 : memref<800xi32, #tpu.memory_space<vmem>>) semaphore(%dma_start3A_27 : memref<!tpu.dma_semaphore, #tpu.memory_space<semaphore_mem>>)
    %dma_wait3A = arith.constant 0 : i32
    %dma_wait3A_28 = arith.constant 0 : i32
    %dma_wait3A_29 = arith.constant 0 : i32
    %dma_wait3A_30 = arith.constant 0 : i32
    %dma_wait3A_31 = tpu.memref_slice %arg6[%dma_wait3A, %dma_wait3A_29, %dma_wait3A_30] : memref<2x800x64xf32, #tpu.memory_space<vmem>> -> memref<1x800x64xf32, #tpu.memory_space<vmem>>
    %dma_wait3A_32 = tpu.memref_squeeze %dma_wait3A_31 : memref<1x800x64xf32, #tpu.memory_space<vmem>> -> memref<800x64xf32, #tpu.memory_space<vmem>>
    %dma_wait3A_33 = arith.constant 0 : i32
    %dma_wait3A_34 = tpu.memref_slice %arg5[%dma_wait3A_33] : memref<6400xi32, #tpu.memory_space<vmem>> -> memref<800xi32, #tpu.memory_space<vmem>>
    %dma_wait3A_35 = arith.constant 0 : i32
    %dma_wait3A_36 = arith.constant 0 : i32
    %dma_wait3A_37 = tpu.memref_slice %arg3[%dma_wait3A_35, %dma_wait3A_36] : memref<1000000x64xf32, #tpu.memory_space<hbm>> -> memref<1000000x64xf32, #tpu.memory_space<hbm>>
    %dma_wait3A_38 = tpu.memref_slice %arg7[%dma_wait3A_28] : memref<2x!tpu.dma_semaphore, #tpu.memory_space<semaphore_mem>> -> memref<1x!tpu.dma_semaphore, #tpu.memory_space<semaphore_mem>>
    %dma_wait3A_39 = tpu.memref_squeeze %dma_wait3A_38 : memref<1x!tpu.dma_semaphore, #tpu.memory_space<semaphore_mem>> -> memref<!tpu.dma_semaphore, #tpu.memory_space<semaphore_mem>>
    tpu.wait_indirect_dma semaphore(%dma_wait3A_39 : memref<!tpu.dma_semaphore, #tpu.memory_space<semaphore_mem>>) src(%dma_wait3A_37 : memref<1000000x64xf32, #tpu.memory_space<hbm>>) dst(%dma_wait3A_32 : memref<800x64xf32, #tpu.memory_space<vmem>>)
    %add3A_40 = arith.constant 0 : i32
    %add3A_41 = arith.addi %mul3A_2, %add3A_40 : i32
    %dma_start3A_42 = arith.constant 0 : i32
    %dma_start3A_43 = arith.constant 0 : i32
    %dma_start3A_44 = arith.constant 0 : i32
    %dma_start3A_45 = arith.constant 0 : i32
    %dma_start3A_46 = tpu.memref_slice %arg6[%dma_start3A_42, %dma_start3A_44, %dma_start3A_45] : memref<2x800x64xf32, #tpu.memory_space<vmem>> -> memref<1x800x64xf32, #tpu.memory_space<vmem>>
    %dma_start3A_47 = tpu.memref_squeeze %dma_start3A_46 : memref<1x800x64xf32, #tpu.memory_space<vmem>> -> memref<800x64xf32, #tpu.memory_space<vmem>>
    %dma_start3A_48 = arith.constant 0 : i32
    %dma_start3A_49 = tpu.memref_slice %arg4[%add3A_41, %dma_start3A_48] : memref<204800x64xf32, #tpu.memory_space<hbm>> -> memref<800x64xf32, #tpu.memory_space<hbm>>
    %dma_start3A_50 = tpu.memref_slice %arg8[%dma_start3A_43] : memref<2x!tpu.dma_semaphore, #tpu.memory_space<semaphore_mem>> -> memref<1x!tpu.dma_semaphore, #tpu.memory_space<semaphore_mem>>
    %dma_start3A_51 = tpu.memref_squeeze %dma_start3A_50 : memref<1x!tpu.dma_semaphore, #tpu.memory_space<semaphore_mem>> -> memref<!tpu.dma_semaphore, #tpu.memory_space<semaphore_mem>>
    %dma_start3A_52 = arith.constant 0 : i32
    %dma_start3A_53 = tpu.memref_slice %arg4[%add3A_41, %dma_start3A_52] : memref<204800x64xf32, #tpu.memory_space<hbm>> -> memref<800x64xf32, #tpu.memory_space<hbm>>
    %dma_start3A_54 = arith.constant 0 : i32
    %dma_start3A_55 = arith.constant 0 : i32
    %dma_start3A_56 = tpu.memref_slice %arg6[%dma_start3A_42, %dma_start3A_54, %dma_start3A_55] : memref<2x800x64xf32, #tpu.memory_space<vmem>> -> memref<1x800x64xf32, #tpu.memory_space<vmem>>
    %dma_start3A_57 = tpu.memref_squeeze %dma_start3A_56 : memref<1x800x64xf32, #tpu.memory_space<vmem>> -> memref<800x64xf32, #tpu.memory_space<vmem>>
    tpu.enqueue_dma source(%dma_start3A_57 : memref<800x64xf32, #tpu.memory_space<vmem>>) target(%dma_start3A_53 : memref<800x64xf32, #tpu.memory_space<hbm>>) target_semaphore(%dma_start3A_51 : memref<!tpu.dma_semaphore, #tpu.memory_space<semaphore_mem>>)
    %dma_wait3A_58 = arith.constant 0 : i32
    %dma_wait3A_59 = arith.constant 0 : i32
    %dma_wait3A_60 = arith.constant 0 : i32
    %dma_wait3A_61 = arith.constant 0 : i32
    %dma_wait3A_62 = tpu.memref_slice %arg6[%dma_wait3A_58, %dma_wait3A_60, %dma_wait3A_61] : memref<2x800x64xf32, #tpu.memory_space<vmem>> -> memref<1x800x64xf32, #tpu.memory_space<vmem>>
    %dma_wait3A_63 = tpu.memref_squeeze %dma_wait3A_62 : memref<1x800x64xf32, #tpu.memory_space<vmem>> -> memref<800x64xf32, #tpu.memory_space<vmem>>
    %dma_wait3A_64 = arith.constant 0 : i32
    %dma_wait3A_65 = tpu.memref_slice %arg4[%add3A_41, %dma_wait3A_64] : memref<204800x64xf32, #tpu.memory_space<hbm>> -> memref<800x64xf32, #tpu.memory_space<hbm>>
    %dma_wait3A_66 = tpu.memref_slice %arg8[%dma_wait3A_59] : memref<2x!tpu.dma_semaphore, #tpu.memory_space<semaphore_mem>> -> memref<1x!tpu.dma_semaphore, #tpu.memory_space<semaphore_mem>>
    %dma_wait3A_67 = tpu.memref_squeeze %dma_wait3A_66 : memref<1x!tpu.dma_semaphore, #tpu.memory_space<semaphore_mem>> -> memref<!tpu.dma_semaphore, #tpu.memory_space<semaphore_mem>>
    %dma_wait3A_68 = arith.constant 0 : i32
    %dma_wait3A_69 = tpu.memref_slice %arg4[%add3A_41, %dma_wait3A_68] : memref<204800x64xf32, #tpu.memory_space<hbm>> -> memref<800x64xf32, #tpu.memory_space<hbm>>
    %dma_wait3A_70 = arith.constant 0 : i32
    %dma_wait3A_71 = arith.constant 0 : i32
    %dma_wait3A_72 = tpu.memref_slice %arg6[%dma_wait3A_58, %dma_wait3A_70, %dma_wait3A_71] : memref<2x800x64xf32, #tpu.memory_space<vmem>> -> memref<1x800x64xf32, #tpu.memory_space<vmem>>
    %dma_wait3A_73 = tpu.memref_squeeze %dma_wait3A_72 : memref<1x800x64xf32, #tpu.memory_space<vmem>> -> memref<800x64xf32, #tpu.memory_space<vmem>>
    tpu.wait_dma2 semaphore(%dma_wait3A_67 : memref<!tpu.dma_semaphore, #tpu.memory_space<semaphore_mem>>) src(%dma_wait3A_73 : memref<800x64xf32, #tpu.memory_space<vmem>>) dst(%dma_wait3A_69 : memref<800x64xf32, #tpu.memory_space<hbm>>)
    %dma_start3A_74 = arith.constant 0 : i32
    %dma_start3A_75 = arith.constant 0 : i32
    %dma_start3A_76 = arith.constant 0 : i32
    %dma_start3A_77 = arith.constant 0 : i32
    %dma_start3A_78 = tpu.memref_slice %arg6[%dma_start3A_74, %dma_start3A_76, %dma_start3A_77] : memref<2x800x64xf32, #tpu.memory_space<vmem>> -> memref<1x800x64xf32, #tpu.memory_space<vmem>>
    %dma_start3A_79 = tpu.memref_squeeze %dma_start3A_78 : memref<1x800x64xf32, #tpu.memory_space<vmem>> -> memref<800x64xf32, #tpu.memory_space<vmem>>
    %dma_start3A_80 = arith.constant 1600 : i32
    %dma_start3A_81 = tpu.memref_slice %arg5[%dma_start3A_80] : memref<6400xi32, #tpu.memory_space<vmem>> -> memref<800xi32, #tpu.memory_space<vmem>>
    %dma_start3A_82 = arith.constant 0 : i32
    %dma_start3A_83 = arith.constant 0 : i32
    %dma_start3A_84 = tpu.memref_slice %arg3[%dma_start3A_82, %dma_start3A_83] : memref<1000000x64xf32, #tpu.memory_space<hbm>> -> memref<1000000x64xf32, #tpu.memory_space<hbm>>
    %dma_start3A_85 = tpu.memref_slice %arg7[%dma_start3A_75] : memref<2x!tpu.dma_semaphore, #tpu.memory_space<semaphore_mem>> -> memref<1x!tpu.dma_semaphore, #tpu.memory_space<semaphore_mem>>
    %dma_start3A_86 = tpu.memref_squeeze %dma_start3A_85 : memref<1x!tpu.dma_semaphore, #tpu.memory_space<semaphore_mem>> -> memref<!tpu.dma_semaphore, #tpu.memory_space<semaphore_mem>>
    tpu.enqueue_indirect_dma source(%dma_start3A_84 : memref<1000000x64xf32, #tpu.memory_space<hbm>>) target(%dma_start3A_79 : memref<800x64xf32, #tpu.memory_space<vmem>>) offsets(%dma_start3A_81 : memref<800xi32, #tpu.memory_space<vmem>>) semaphore(%dma_start3A_86 : memref<!tpu.dma_semaphore, #tpu.memory_space<semaphore_mem>>)
    %dma_wait3A_87 = arith.constant 1 : i32
    %dma_wait3A_88 = arith.constant 1 : i32
    %dma_wait3A_89 = arith.constant 0 : i32
    %dma_wait3A_90 = arith.constant 0 : i32
    %dma_wait3A_91 = tpu.memref_slice %arg6[%dma_wait3A_87, %dma_wait3A_89, %dma_wait3A_90] : memref<2x800x64xf32, #tpu.memory_space<vmem>> -> memref<1x800x64xf32, #tpu.memory_space<vmem>>
    %dma_wait3A_92 = tpu.memref_squeeze %dma_wait3A_91 : memref<1x800x64xf32, #tpu.memory_space<vmem>> -> memref<800x64xf32, #tpu.memory_space<vmem>>
    %dma_wait3A_93 = arith.constant 800 : i32
    %dma_wait3A_94 = tpu.memref_slice %arg5[%dma_wait3A_93] : memref<6400xi32, #tpu.memory_space<vmem>> -> memref<800xi32, #tpu.memory_space<vmem>>
    %dma_wait3A_95 = arith.constant 0 : i32
    %dma_wait3A_96 = arith.constant 0 : i32
    %dma_wait3A_97 = tpu.memref_slice %arg3[%dma_wait3A_95, %dma_wait3A_96] : memref<1000000x64xf32, #tpu.memory_space<hbm>> -> memref<1000000x64xf32, #tpu.memory_space<hbm>>
    %dma_wait3A_98 = tpu.memref_slice %arg7[%dma_wait3A_88] : memref<2x!tpu.dma_semaphore, #tpu.memory_space<semaphore_mem>> -> memref<1x!tpu.dma_semaphore, #tpu.memory_space<semaphore_mem>>
    %dma_wait3A_99 = tpu.memref_squeeze %dma_wait3A_98 : memref<1x!tpu.dma_semaphore, #tpu.memory_space<semaphore_mem>> -> memref<!tpu.dma_semaphore, #tpu.memory_space<semaphore_mem>>
    tpu.wait_indirect_dma semaphore(%dma_wait3A_99 : memref<!tpu.dma_semaphore, #tpu.memory_space<semaphore_mem>>) src(%dma_wait3A_97 : memref<1000000x64xf32, #tpu.memory_space<hbm>>) dst(%dma_wait3A_92 : memref<800x64xf32, #tpu.memory_space<vmem>>)
    %add3A_100 = arith.constant 800 : i32
    %add3A_101 = arith.addi %mul3A_2, %add3A_100 : i32
    %dma_start3A_102 = arith.constant 1 : i32
    %dma_start3A_103 = arith.constant 1 : i32
    %dma_start3A_104 = arith.constant 0 : i32
    %dma_start3A_105 = arith.constant 0 : i32
    %dma_start3A_106 = tpu.memref_slice %arg6[%dma_start3A_102, %dma_start3A_104, %dma_start3A_105] : memref<2x800x64xf32, #tpu.memory_space<vmem>> -> memref<1x800x64xf32, #tpu.memory_space<vmem>>
    %dma_start3A_107 = tpu.memref_squeeze %dma_start3A_106 : memref<1x800x64xf32, #tpu.memory_space<vmem>> -> memref<800x64xf32, #tpu.memory_space<vmem>>
    %dma_start3A_108 = arith.constant 0 : i32
    %dma_start3A_109 = tpu.memref_slice %arg4[%add3A_101, %dma_start3A_108] : memref<204800x64xf32, #tpu.memory_space<hbm>> -> memref<800x64xf32, #tpu.memory_space<hbm>>
    %dma_start3A_110 = tpu.memref_slice %arg8[%dma_start3A_103] : memref<2x!tpu.dma_semaphore, #tpu.memory_space<semaphore_mem>> -> memref<1x!tpu.dma_semaphore, #tpu.memory_space<semaphore_mem>>
    %dma_start3A_111 = tpu.memref_squeeze %dma_start3A_110 : memref<1x!tpu.dma_semaphore, #tpu.memory_space<semaphore_mem>> -> memref<!tpu.dma_semaphore, #tpu.memory_space<semaphore_mem>>
    %dma_start3A_112 = arith.constant 0 : i32
    %dma_start3A_113 = tpu.memref_slice %arg4[%add3A_101, %dma_start3A_112] : memref<204800x64xf32, #tpu.memory_space<hbm>> -> memref<800x64xf32, #tpu.memory_space<hbm>>
    %dma_start3A_114 = arith.constant 0 : i32
    %dma_start3A_115 = arith.constant 0 : i32
    %dma_start3A_116 = tpu.memref_slice %arg6[%dma_start3A_102, %dma_start3A_114, %dma_start3A_115] : memref<2x800x64xf32, #tpu.memory_space<vmem>> -> memref<1x800x64xf32, #tpu.memory_space<vmem>>
    %dma_start3A_117 = tpu.memref_squeeze %dma_start3A_116 : memref<1x800x64xf32, #tpu.memory_space<vmem>> -> memref<800x64xf32, #tpu.memory_space<vmem>>
    tpu.enqueue_dma source(%dma_start3A_117 : memref<800x64xf32, #tpu.memory_space<vmem>>) target(%dma_start3A_113 : memref<800x64xf32, #tpu.memory_space<hbm>>) target_semaphore(%dma_start3A_111 : memref<!tpu.dma_semaphore, #tpu.memory_space<semaphore_mem>>)
    %dma_wait3A_118 = arith.constant 1 : i32
    %dma_wait3A_119 = arith.constant 1 : i32
    %dma_wait3A_120 = arith.constant 0 : i32
    %dma_wait3A_121 = arith.constant 0 : i32
    %dma_wait3A_122 = tpu.memref_slice %arg6[%dma_wait3A_118, %dma_wait3A_120, %dma_wait3A_121] : memref<2x800x64xf32, #tpu.memory_space<vmem>> -> memref<1x800x64xf32, #tpu.memory_space<vmem>>
    %dma_wait3A_123 = tpu.memref_squeeze %dma_wait3A_122 : memref<1x800x64xf32, #tpu.memory_space<vmem>> -> memref<800x64xf32, #tpu.memory_space<vmem>>
    %dma_wait3A_124 = arith.constant 0 : i32
    %dma_wait3A_125 = tpu.memref_slice %arg4[%add3A_101, %dma_wait3A_124] : memref<204800x64xf32, #tpu.memory_space<hbm>> -> memref<800x64xf32, #tpu.memory_space<hbm>>
    %dma_wait3A_126 = tpu.memref_slice %arg8[%dma_wait3A_119] : memref<2x!tpu.dma_semaphore, #tpu.memory_space<semaphore_mem>> -> memref<1x!tpu.dma_semaphore, #tpu.memory_space<semaphore_mem>>
    %dma_wait3A_127 = tpu.memref_squeeze %dma_wait3A_126 : memref<1x!tpu.dma_semaphore, #tpu.memory_space<semaphore_mem>> -> memref<!tpu.dma_semaphore, #tpu.memory_space<semaphore_mem>>
    %dma_wait3A_128 = arith.constant 0 : i32
    %dma_wait3A_129 = tpu.memref_slice %arg4[%add3A_101, %dma_wait3A_128] : memref<204800x64xf32, #tpu.memory_space<hbm>> -> memref<800x64xf32, #tpu.memory_space<hbm>>
    %dma_wait3A_130 = arith.constant 0 : i32
    %dma_wait3A_131 = arith.constant 0 : i32
    %dma_wait3A_132 = tpu.memref_slice %arg6[%dma_wait3A_118, %dma_wait3A_130, %dma_wait3A_131] : memref<2x800x64xf32, #tpu.memory_space<vmem>> -> memref<1x800x64xf32, #tpu.memory_space<vmem>>
    %dma_wait3A_133 = tpu.memref_squeeze %dma_wait3A_132 : memref<1x800x64xf32, #tpu.memory_space<vmem>> -> memref<800x64xf32, #tpu.memory_space<vmem>>
    tpu.wait_dma2 semaphore(%dma_wait3A_127 : memref<!tpu.dma_semaphore, #tpu.memory_space<semaphore_mem>>) src(%dma_wait3A_133 : memref<800x64xf32, #tpu.memory_space<vmem>>) dst(%dma_wait3A_129 : memref<800x64xf32, #tpu.memory_space<hbm>>)
    %dma_start3A_134 = arith.constant 1 : i32
    %dma_start3A_135 = arith.constant 1 : i32
    %dma_start3A_136 = arith.constant 0 : i32
    %dma_start3A_137 = arith.constant 0 : i32
    %dma_start3A_138 = tpu.memref_slice %arg6[%dma_start3A_134, %dma_start3A_136, %dma_start3A_137] : memref<2x800x64xf32, #tpu.memory_space<vmem>> -> memref<1x800x64xf32, #tpu.memory_space<vmem>>
    %dma_start3A_139 = tpu.memref_squeeze %dma_start3A_138 : memref<1x800x64xf32, #tpu.memory_space<vmem>> -> memref<800x64xf32, #tpu.memory_space<vmem>>
    %dma_start3A_140 = arith.constant 2400 : i32
    %dma_start3A_141 = tpu.memref_slice %arg5[%dma_start3A_140] : memref<6400xi32, #tpu.memory_space<vmem>> -> memref<800xi32, #tpu.memory_space<vmem>>
    %dma_start3A_142 = arith.constant 0 : i32
    %dma_start3A_143 = arith.constant 0 : i32
    %dma_start3A_144 = tpu.memref_slice %arg3[%dma_start3A_142, %dma_start3A_143] : memref<1000000x64xf32, #tpu.memory_space<hbm>> -> memref<1000000x64xf32, #tpu.memory_space<hbm>>
    %dma_start3A_145 = tpu.memref_slice %arg7[%dma_start3A_135] : memref<2x!tpu.dma_semaphore, #tpu.memory_space<semaphore_mem>> -> memref<1x!tpu.dma_semaphore, #tpu.memory_space<semaphore_mem>>
    %dma_start3A_146 = tpu.memref_squeeze %dma_start3A_145 : memref<1x!tpu.dma_semaphore, #tpu.memory_space<semaphore_mem>> -> memref<!tpu.dma_semaphore, #tpu.memory_space<semaphore_mem>>
    tpu.enqueue_indirect_dma source(%dma_start3A_144 : memref<1000000x64xf32, #tpu.memory_space<hbm>>) target(%dma_start3A_139 : memref<800x64xf32, #tpu.memory_space<vmem>>) offsets(%dma_start3A_141 : memref<800xi32, #tpu.memory_space<vmem>>) semaphore(%dma_start3A_146 : memref<!tpu.dma_semaphore, #tpu.memory_space<semaphore_mem>>)
    %dma_wait3A_147 = arith.constant 0 : i32
    %dma_wait3A_148 = arith.constant 0 : i32
    %dma_wait3A_149 = arith.constant 0 : i32
    %dma_wait3A_150 = arith.constant 0 : i32
    %dma_wait3A_151 = tpu.memref_slice %arg6[%dma_wait3A_147, %dma_wait3A_149, %dma_wait3A_150] : memref<2x800x64xf32, #tpu.memory_space<vmem>> -> memref<1x800x64xf32, #tpu.memory_space<vmem>>
    %dma_wait3A_152 = tpu.memref_squeeze %dma_wait3A_151 : memref<1x800x64xf32, #tpu.memory_space<vmem>> -> memref<800x64xf32, #tpu.memory_space<vmem>>
    %dma_wait3A_153 = arith.constant 1600 : i32
    %dma_wait3A_154 = tpu.memref_slice %arg5[%dma_wait3A_153] : memref<6400xi32, #tpu.memory_space<vmem>> -> memref<800xi32, #tpu.memory_space<vmem>>
    %dma_wait3A_155 = arith.constant 0 : i32
    %dma_wait3A_156 = arith.constant 0 : i32
    %dma_wait3A_157 = tpu.memref_slice %arg3[%dma_wait3A_155, %dma_wait3A_156] : memref<1000000x64xf32, #tpu.memory_space<hbm>> -> memref<1000000x64xf32, #tpu.memory_space<hbm>>
    %dma_wait3A_158 = tpu.memref_slice %arg7[%dma_wait3A_148] : memref<2x!tpu.dma_semaphore, #tpu.memory_space<semaphore_mem>> -> memref<1x!tpu.dma_semaphore, #tpu.memory_space<semaphore_mem>>
    %dma_wait3A_159 = tpu.memref_squeeze %dma_wait3A_158 : memref<1x!tpu.dma_semaphore, #tpu.memory_space<semaphore_mem>> -> memref<!tpu.dma_semaphore, #tpu.memory_space<semaphore_mem>>
    tpu.wait_indirect_dma semaphore(%dma_wait3A_159 : memref<!tpu.dma_semaphore, #tpu.memory_space<semaphore_mem>>) src(%dma_wait3A_157 : memref<1000000x64xf32, #tpu.memory_space<hbm>>) dst(%dma_wait3A_152 : memref<800x64xf32, #tpu.memory_space<vmem>>)
    %add3A_160 = arith.constant 1600 : i32
    %add3A_161 = arith.addi %mul3A_2, %add3A_160 : i32
    %dma_start3A_162 = arith.constant 0 : i32
    %dma_start3A_163 = arith.constant 0 : i32
    %dma_start3A_164 = arith.constant 0 : i32
    %dma_start3A_165 = arith.constant 0 : i32
    %dma_start3A_166 = tpu.memref_slice %arg6[%dma_start3A_162, %dma_start3A_164, %dma_start3A_165] : memref<2x800x64xf32, #tpu.memory_space<vmem>> -> memref<1x800x64xf32, #tpu.memory_space<vmem>>
    %dma_start3A_167 = tpu.memref_squeeze %dma_start3A_166 : memref<1x800x64xf32, #tpu.memory_space<vmem>> -> memref<800x64xf32, #tpu.memory_space<vmem>>
    %dma_start3A_168 = arith.constant 0 : i32
    %dma_start3A_169 = tpu.memref_slice %arg4[%add3A_161, %dma_start3A_168] : memref<204800x64xf32, #tpu.memory_space<hbm>> -> memref<800x64xf32, #tpu.memory_space<hbm>>
    %dma_start3A_170 = tpu.memref_slice %arg8[%dma_start3A_163] : memref<2x!tpu.dma_semaphore, #tpu.memory_space<semaphore_mem>> -> memref<1x!tpu.dma_semaphore, #tpu.memory_space<semaphore_mem>>
    %dma_start3A_171 = tpu.memref_squeeze %dma_start3A_170 : memref<1x!tpu.dma_semaphore, #tpu.memory_space<semaphore_mem>> -> memref<!tpu.dma_semaphore, #tpu.memory_space<semaphore_mem>>
    %dma_start3A_172 = arith.constant 0 : i32
    %dma_start3A_173 = tpu.memref_slice %arg4[%add3A_161, %dma_start3A_172] : memref<204800x64xf32, #tpu.memory_space<hbm>> -> memref<800x64xf32, #tpu.memory_space<hbm>>
    %dma_start3A_174 = arith.constant 0 : i32
    %dma_start3A_175 = arith.constant 0 : i32
    %dma_start3A_176 = tpu.memref_slice %arg6[%dma_start3A_162, %dma_start3A_174, %dma_start3A_175] : memref<2x800x64xf32, #tpu.memory_space<vmem>> -> memref<1x800x64xf32, #tpu.memory_space<vmem>>
    %dma_start3A_177 = tpu.memref_squeeze %dma_start3A_176 : memref<1x800x64xf32, #tpu.memory_space<vmem>> -> memref<800x64xf32, #tpu.memory_space<vmem>>
    tpu.enqueue_dma source(%dma_start3A_177 : memref<800x64xf32, #tpu.memory_space<vmem>>) target(%dma_start3A_173 : memref<800x64xf32, #tpu.memory_space<hbm>>) target_semaphore(%dma_start3A_171 : memref<!tpu.dma_semaphore, #tpu.memory_space<semaphore_mem>>)
    %dma_wait3A_178 = arith.constant 0 : i32
    %dma_wait3A_179 = arith.constant 0 : i32
    %dma_wait3A_180 = arith.constant 0 : i32
    %dma_wait3A_181 = arith.constant 0 : i32
    %dma_wait3A_182 = tpu.memref_slice %arg6[%dma_wait3A_178, %dma_wait3A_180, %dma_wait3A_181] : memref<2x800x64xf32, #tpu.memory_space<vmem>> -> memref<1x800x64xf32, #tpu.memory_space<vmem>>
    %dma_wait3A_183 = tpu.memref_squeeze %dma_wait3A_182 : memref<1x800x64xf32, #tpu.memory_space<vmem>> -> memref<800x64xf32, #tpu.memory_space<vmem>>
    %dma_wait3A_184 = arith.constant 0 : i32
    %dma_wait3A_185 = tpu.memref_slice %arg4[%add3A_161, %dma_wait3A_184] : memref<204800x64xf32, #tpu.memory_space<hbm>> -> memref<800x64xf32, #tpu.memory_space<hbm>>
    %dma_wait3A_186 = tpu.memref_slice %arg8[%dma_wait3A_179] : memref<2x!tpu.dma_semaphore, #tpu.memory_space<semaphore_mem>> -> memref<1x!tpu.dma_semaphore, #tpu.memory_space<semaphore_mem>>
    %dma_wait3A_187 = tpu.memref_squeeze %dma_wait3A_186 : memref<1x!tpu.dma_semaphore, #tpu.memory_space<semaphore_mem>> -> memref<!tpu.dma_semaphore, #tpu.memory_space<semaphore_mem>>
    %dma_wait3A_188 = arith.constant 0 : i32
    %dma_wait3A_189 = tpu.memref_slice %arg4[%add3A_161, %dma_wait3A_188] : memref<204800x64xf32, #tpu.memory_space<hbm>> -> memref<800x64xf32, #tpu.memory_space<hbm>>
    %dma_wait3A_190 = arith.constant 0 : i32
    %dma_wait3A_191 = arith.constant 0 : i32
    %dma_wait3A_192 = tpu.memref_slice %arg6[%dma_wait3A_178, %dma_wait3A_190, %dma_wait3A_191] : memref<2x800x64xf32, #tpu.memory_space<vmem>> -> memref<1x800x64xf32, #tpu.memory_space<vmem>>
    %dma_wait3A_193 = tpu.memref_squeeze %dma_wait3A_192 : memref<1x800x64xf32, #tpu.memory_space<vmem>> -> memref<800x64xf32, #tpu.memory_space<vmem>>
    tpu.wait_dma2 semaphore(%dma_wait3A_187 : memref<!tpu.dma_semaphore, #tpu.memory_space<semaphore_mem>>) src(%dma_wait3A_193 : memref<800x64xf32, #tpu.memory_space<vmem>>) dst(%dma_wait3A_189 : memref<800x64xf32, #tpu.memory_space<hbm>>)
    %dma_start3A_194 = arith.constant 0 : i32
    %dma_start3A_195 = arith.constant 0 : i32
    %dma_start3A_196 = arith.constant 0 : i32
    %dma_start3A_197 = arith.constant 0 : i32
    %dma_start3A_198 = tpu.memref_slice %arg6[%dma_start3A_194, %dma_start3A_196, %dma_start3A_197] : memref<2x800x64xf32, #tpu.memory_space<vmem>> -> memref<1x800x64xf32, #tpu.memory_space<vmem>>
    %dma_start3A_199 = tpu.memref_squeeze %dma_start3A_198 : memref<1x800x64xf32, #tpu.memory_space<vmem>> -> memref<800x64xf32, #tpu.memory_space<vmem>>
    %dma_start3A_200 = arith.constant 3200 : i32
    %dma_start3A_201 = tpu.memref_slice %arg5[%dma_start3A_200] : memref<6400xi32, #tpu.memory_space<vmem>> -> memref<800xi32, #tpu.memory_space<vmem>>
    %dma_start3A_202 = arith.constant 0 : i32
    %dma_start3A_203 = arith.constant 0 : i32
    %dma_start3A_204 = tpu.memref_slice %arg3[%dma_start3A_202, %dma_start3A_203] : memref<1000000x64xf32, #tpu.memory_space<hbm>> -> memref<1000000x64xf32, #tpu.memory_space<hbm>>
    %dma_start3A_205 = tpu.memref_slice %arg7[%dma_start3A_195] : memref<2x!tpu.dma_semaphore, #tpu.memory_space<semaphore_mem>> -> memref<1x!tpu.dma_semaphore, #tpu.memory_space<semaphore_mem>>
    %dma_start3A_206 = tpu.memref_squeeze %dma_start3A_205 : memref<1x!tpu.dma_semaphore, #tpu.memory_space<semaphore_mem>> -> memref<!tpu.dma_semaphore, #tpu.memory_space<semaphore_mem>>
    tpu.enqueue_indirect_dma source(%dma_start3A_204 : memref<1000000x64xf32, #tpu.memory_space<hbm>>) target(%dma_start3A_199 : memref<800x64xf32, #tpu.memory_space<vmem>>) offsets(%dma_start3A_201 : memref<800xi32, #tpu.memory_space<vmem>>) semaphore(%dma_start3A_206 : memref<!tpu.dma_semaphore, #tpu.memory_space<semaphore_mem>>)
    %dma_wait3A_207 = arith.constant 1 : i32
    %dma_wait3A_208 = arith.constant 1 : i32
    %dma_wait3A_209 = arith.constant 0 : i32
    %dma_wait3A_210 = arith.constant 0 : i32
    %dma_wait3A_211 = tpu.memref_slice %arg6[%dma_wait3A_207, %dma_wait3A_209, %dma_wait3A_210] : memref<2x800x64xf32, #tpu.memory_space<vmem>> -> memref<1x800x64xf32, #tpu.memory_space<vmem>>
    %dma_wait3A_212 = tpu.memref_squeeze %dma_wait3A_211 : memref<1x800x64xf32, #tpu.memory_space<vmem>> -> memref<800x64xf32, #tpu.memory_space<vmem>>
    %dma_wait3A_213 = arith.constant 2400 : i32
    %dma_wait3A_214 = tpu.memref_slice %arg5[%dma_wait3A_213] : memref<6400xi32, #tpu.memory_space<vmem>> -> memref<800xi32, #tpu.memory_space<vmem>>
    %dma_wait3A_215 = arith.constant 0 : i32
    %dma_wait3A_216 = arith.constant 0 : i32
    %dma_wait3A_217 = tpu.memref_slice %arg3[%dma_wait3A_215, %dma_wait3A_216] : memref<1000000x64xf32, #tpu.memory_space<hbm>> -> memref<1000000x64xf32, #tpu.memory_space<hbm>>
    %dma_wait3A_218 = tpu.memref_slice %arg7[%dma_wait3A_208] : memref<2x!tpu.dma_semaphore, #tpu.memory_space<semaphore_mem>> -> memref<1x!tpu.dma_semaphore, #tpu.memory_space<semaphore_mem>>
    %dma_wait3A_219 = tpu.memref_squeeze %dma_wait3A_218 : memref<1x!tpu.dma_semaphore, #tpu.memory_space<semaphore_mem>> -> memref<!tpu.dma_semaphore, #tpu.memory_space<semaphore_mem>>
    tpu.wait_indirect_dma semaphore(%dma_wait3A_219 : memref<!tpu.dma_semaphore, #tpu.memory_space<semaphore_mem>>) src(%dma_wait3A_217 : memref<1000000x64xf32, #tpu.memory_space<hbm>>) dst(%dma_wait3A_212 : memref<800x64xf32, #tpu.memory_space<vmem>>)
    %add3A_220 = arith.constant 2400 : i32
    %add3A_221 = arith.addi %mul3A_2, %add3A_220 : i32
    %dma_start3A_222 = arith.constant 1 : i32
    %dma_start3A_223 = arith.constant 1 : i32
    %dma_start3A_224 = arith.constant 0 : i32
    %dma_start3A_225 = arith.constant 0 : i32
    %dma_start3A_226 = tpu.memref_slice %arg6[%dma_start3A_222, %dma_start3A_224, %dma_start3A_225] : memref<2x800x64xf32, #tpu.memory_space<vmem>> -> memref<1x800x64xf32, #tpu.memory_space<vmem>>
    %dma_start3A_227 = tpu.memref_squeeze %dma_start3A_226 : memref<1x800x64xf32, #tpu.memory_space<vmem>> -> memref<800x64xf32, #tpu.memory_space<vmem>>
    %dma_start3A_228 = arith.constant 0 : i32
    %dma_start3A_229 = tpu.memref_slice %arg4[%add3A_221, %dma_start3A_228] : memref<204800x64xf32, #tpu.memory_space<hbm>> -> memref<800x64xf32, #tpu.memory_space<hbm>>
    %dma_start3A_230 = tpu.memref_slice %arg8[%dma_start3A_223] : memref<2x!tpu.dma_semaphore, #tpu.memory_space<semaphore_mem>> -> memref<1x!tpu.dma_semaphore, #tpu.memory_space<semaphore_mem>>
    %dma_start3A_231 = tpu.memref_squeeze %dma_start3A_230 : memref<1x!tpu.dma_semaphore, #tpu.memory_space<semaphore_mem>> -> memref<!tpu.dma_semaphore, #tpu.memory_space<semaphore_mem>>
    %dma_start3A_232 = arith.constant 0 : i32
    %dma_start3A_233 = tpu.memref_slice %arg4[%add3A_221, %dma_start3A_232] : memref<204800x64xf32, #tpu.memory_space<hbm>> -> memref<800x64xf32, #tpu.memory_space<hbm>>
    %dma_start3A_234 = arith.constant 0 : i32
    %dma_start3A_235 = arith.constant 0 : i32
    %dma_start3A_236 = tpu.memref_slice %arg6[%dma_start3A_222, %dma_start3A_234, %dma_start3A_235] : memref<2x800x64xf32, #tpu.memory_space<vmem>> -> memref<1x800x64xf32, #tpu.memory_space<vmem>>
    %dma_start3A_237 = tpu.memref_squeeze %dma_start3A_236 : memref<1x800x64xf32, #tpu.memory_space<vmem>> -> memref<800x64xf32, #tpu.memory_space<vmem>>
    tpu.enqueue_dma source(%dma_start3A_237 : memref<800x64xf32, #tpu.memory_space<vmem>>) target(%dma_start3A_233 : memref<800x64xf32, #tpu.memory_space<hbm>>) target_semaphore(%dma_start3A_231 : memref<!tpu.dma_semaphore, #tpu.memory_space<semaphore_mem>>)
    %dma_wait3A_238 = arith.constant 1 : i32
    %dma_wait3A_239 = arith.constant 1 : i32
    %dma_wait3A_240 = arith.constant 0 : i32
    %dma_wait3A_241 = arith.constant 0 : i32
    %dma_wait3A_242 = tpu.memref_slice %arg6[%dma_wait3A_238, %dma_wait3A_240, %dma_wait3A_241] : memref<2x800x64xf32, #tpu.memory_space<vmem>> -> memref<1x800x64xf32, #tpu.memory_space<vmem>>
    %dma_wait3A_243 = tpu.memref_squeeze %dma_wait3A_242 : memref<1x800x64xf32, #tpu.memory_space<vmem>> -> memref<800x64xf32, #tpu.memory_space<vmem>>
    %dma_wait3A_244 = arith.constant 0 : i32
    %dma_wait3A_245 = tpu.memref_slice %arg4[%add3A_221, %dma_wait3A_244] : memref<204800x64xf32, #tpu.memory_space<hbm>> -> memref<800x64xf32, #tpu.memory_space<hbm>>
    %dma_wait3A_246 = tpu.memref_slice %arg8[%dma_wait3A_239] : memref<2x!tpu.dma_semaphore, #tpu.memory_space<semaphore_mem>> -> memref<1x!tpu.dma_semaphore, #tpu.memory_space<semaphore_mem>>
    %dma_wait3A_247 = tpu.memref_squeeze %dma_wait3A_246 : memref<1x!tpu.dma_semaphore, #tpu.memory_space<semaphore_mem>> -> memref<!tpu.dma_semaphore, #tpu.memory_space<semaphore_mem>>
    %dma_wait3A_248 = arith.constant 0 : i32
    %dma_wait3A_249 = tpu.memref_slice %arg4[%add3A_221, %dma_wait3A_248] : memref<204800x64xf32, #tpu.memory_space<hbm>> -> memref<800x64xf32, #tpu.memory_space<hbm>>
    %dma_wait3A_250 = arith.constant 0 : i32
    %dma_wait3A_251 = arith.constant 0 : i32
    %dma_wait3A_252 = tpu.memref_slice %arg6[%dma_wait3A_238, %dma_wait3A_250, %dma_wait3A_251] : memref<2x800x64xf32, #tpu.memory_space<vmem>> -> memref<1x800x64xf32, #tpu.memory_space<vmem>>
    %dma_wait3A_253 = tpu.memref_squeeze %dma_wait3A_252 : memref<1x800x64xf32, #tpu.memory_space<vmem>> -> memref<800x64xf32, #tpu.memory_space<vmem>>
    tpu.wait_dma2 semaphore(%dma_wait3A_247 : memref<!tpu.dma_semaphore, #tpu.memory_space<semaphore_mem>>) src(%dma_wait3A_253 : memref<800x64xf32, #tpu.memory_space<vmem>>) dst(%dma_wait3A_249 : memref<800x64xf32, #tpu.memory_space<hbm>>)
    %dma_start3A_254 = arith.constant 1 : i32
    %dma_start3A_255 = arith.constant 1 : i32
    %dma_start3A_256 = arith.constant 0 : i32
    %dma_start3A_257 = arith.constant 0 : i32
    %dma_start3A_258 = tpu.memref_slice %arg6[%dma_start3A_254, %dma_start3A_256, %dma_start3A_257] : memref<2x800x64xf32, #tpu.memory_space<vmem>> -> memref<1x800x64xf32, #tpu.memory_space<vmem>>
    %dma_start3A_259 = tpu.memref_squeeze %dma_start3A_258 : memref<1x800x64xf32, #tpu.memory_space<vmem>> -> memref<800x64xf32, #tpu.memory_space<vmem>>
    %dma_start3A_260 = arith.constant 4000 : i32
    %dma_start3A_261 = tpu.memref_slice %arg5[%dma_start3A_260] : memref<6400xi32, #tpu.memory_space<vmem>> -> memref<800xi32, #tpu.memory_space<vmem>>
    %dma_start3A_262 = arith.constant 0 : i32
    %dma_start3A_263 = arith.constant 0 : i32
    %dma_start3A_264 = tpu.memref_slice %arg3[%dma_start3A_262, %dma_start3A_263] : memref<1000000x64xf32, #tpu.memory_space<hbm>> -> memref<1000000x64xf32, #tpu.memory_space<hbm>>
    %dma_start3A_265 = tpu.memref_slice %arg7[%dma_start3A_255] : memref<2x!tpu.dma_semaphore, #tpu.memory_space<semaphore_mem>> -> memref<1x!tpu.dma_semaphore, #tpu.memory_space<semaphore_mem>>
    %dma_start3A_266 = tpu.memref_squeeze %dma_start3A_265 : memref<1x!tpu.dma_semaphore, #tpu.memory_space<semaphore_mem>> -> memref<!tpu.dma_semaphore, #tpu.memory_space<semaphore_mem>>
    tpu.enqueue_indirect_dma source(%dma_start3A_264 : memref<1000000x64xf32, #tpu.memory_space<hbm>>) target(%dma_start3A_259 : memref<800x64xf32, #tpu.memory_space<vmem>>) offsets(%dma_start3A_261 : memref<800xi32, #tpu.memory_space<vmem>>) semaphore(%dma_start3A_266 : memref<!tpu.dma_semaphore, #tpu.memory_space<semaphore_mem>>)
    %dma_wait3A_267 = arith.constant 0 : i32
    %dma_wait3A_268 = arith.constant 0 : i32
    %dma_wait3A_269 = arith.constant 0 : i32
    %dma_wait3A_270 = arith.constant 0 : i32
    %dma_wait3A_271 = tpu.memref_slice %arg6[%dma_wait3A_267, %dma_wait3A_269, %dma_wait3A_270] : memref<2x800x64xf32, #tpu.memory_space<vmem>> -> memref<1x800x64xf32, #tpu.memory_space<vmem>>
    %dma_wait3A_272 = tpu.memref_squeeze %dma_wait3A_271 : memref<1x800x64xf32, #tpu.memory_space<vmem>> -> memref<800x64xf32, #tpu.memory_space<vmem>>
    %dma_wait3A_273 = arith.constant 3200 : i32
    %dma_wait3A_274 = tpu.memref_slice %arg5[%dma_wait3A_273] : memref<6400xi32, #tpu.memory_space<vmem>> -> memref<800xi32, #tpu.memory_space<vmem>>
    %dma_wait3A_275 = arith.constant 0 : i32
    %dma_wait3A_276 = arith.constant 0 : i32
    %dma_wait3A_277 = tpu.memref_slice %arg3[%dma_wait3A_275, %dma_wait3A_276] : memref<1000000x64xf32, #tpu.memory_space<hbm>> -> memref<1000000x64xf32, #tpu.memory_space<hbm>>
    %dma_wait3A_278 = tpu.memref_slice %arg7[%dma_wait3A_268] : memref<2x!tpu.dma_semaphore, #tpu.memory_space<semaphore_mem>> -> memref<1x!tpu.dma_semaphore, #tpu.memory_space<semaphore_mem>>
    %dma_wait3A_279 = tpu.memref_squeeze %dma_wait3A_278 : memref<1x!tpu.dma_semaphore, #tpu.memory_space<semaphore_mem>> -> memref<!tpu.dma_semaphore, #tpu.memory_space<semaphore_mem>>
    tpu.wait_indirect_dma semaphore(%dma_wait3A_279 : memref<!tpu.dma_semaphore, #tpu.memory_space<semaphore_mem>>) src(%dma_wait3A_277 : memref<1000000x64xf32, #tpu.memory_space<hbm>>) dst(%dma_wait3A_272 : memref<800x64xf32, #tpu.memory_space<vmem>>)
    %add3A_280 = arith.constant 3200 : i32
    %add3A_281 = arith.addi %mul3A_2, %add3A_280 : i32
    %dma_start3A_282 = arith.constant 0 : i32
    %dma_start3A_283 = arith.constant 0 : i32
    %dma_start3A_284 = arith.constant 0 : i32
    %dma_start3A_285 = arith.constant 0 : i32
    %dma_start3A_286 = tpu.memref_slice %arg6[%dma_start3A_282, %dma_start3A_284, %dma_start3A_285] : memref<2x800x64xf32, #tpu.memory_space<vmem>> -> memref<1x800x64xf32, #tpu.memory_space<vmem>>
    %dma_start3A_287 = tpu.memref_squeeze %dma_start3A_286 : memref<1x800x64xf32, #tpu.memory_space<vmem>> -> memref<800x64xf32, #tpu.memory_space<vmem>>
    %dma_start3A_288 = arith.constant 0 : i32
    %dma_start3A_289 = tpu.memref_slice %arg4[%add3A_281, %dma_start3A_288] : memref<204800x64xf32, #tpu.memory_space<hbm>> -> memref<800x64xf32, #tpu.memory_space<hbm>>
    %dma_start3A_290 = tpu.memref_slice %arg8[%dma_start3A_283] : memref<2x!tpu.dma_semaphore, #tpu.memory_space<semaphore_mem>> -> memref<1x!tpu.dma_semaphore, #tpu.memory_space<semaphore_mem>>
    %dma_start3A_291 = tpu.memref_squeeze %dma_start3A_290 : memref<1x!tpu.dma_semaphore, #tpu.memory_space<semaphore_mem>> -> memref<!tpu.dma_semaphore, #tpu.memory_space<semaphore_mem>>
    %dma_start3A_292 = arith.constant 0 : i32
    %dma_start3A_293 = tpu.memref_slice %arg4[%add3A_281, %dma_start3A_292] : memref<204800x64xf32, #tpu.memory_space<hbm>> -> memref<800x64xf32, #tpu.memory_space<hbm>>
    %dma_start3A_294 = arith.constant 0 : i32
    %dma_start3A_295 = arith.constant 0 : i32
    %dma_start3A_296 = tpu.memref_slice %arg6[%dma_start3A_282, %dma_start3A_294, %dma_start3A_295] : memref<2x800x64xf32, #tpu.memory_space<vmem>> -> memref<1x800x64xf32, #tpu.memory_space<vmem>>
    %dma_start3A_297 = tpu.memref_squeeze %dma_start3A_296 : memref<1x800x64xf32, #tpu.memory_space<vmem>> -> memref<800x64xf32, #tpu.memory_space<vmem>>
    tpu.enqueue_dma source(%dma_start3A_297 : memref<800x64xf32, #tpu.memory_space<vmem>>) target(%dma_start3A_293 : memref<800x64xf32, #tpu.memory_space<hbm>>) target_semaphore(%dma_start3A_291 : memref<!tpu.dma_semaphore, #tpu.memory_space<semaphore_mem>>)
    %dma_wait3A_298 = arith.constant 0 : i32
    %dma_wait3A_299 = arith.constant 0 : i32
    %dma_wait3A_300 = arith.constant 0 : i32
    %dma_wait3A_301 = arith.constant 0 : i32
    %dma_wait3A_302 = tpu.memref_slice %arg6[%dma_wait3A_298, %dma_wait3A_300, %dma_wait3A_301] : memref<2x800x64xf32, #tpu.memory_space<vmem>> -> memref<1x800x64xf32, #tpu.memory_space<vmem>>
    %dma_wait3A_303 = tpu.memref_squeeze %dma_wait3A_302 : memref<1x800x64xf32, #tpu.memory_space<vmem>> -> memref<800x64xf32, #tpu.memory_space<vmem>>
    %dma_wait3A_304 = arith.constant 0 : i32
    %dma_wait3A_305 = tpu.memref_slice %arg4[%add3A_281, %dma_wait3A_304] : memref<204800x64xf32, #tpu.memory_space<hbm>> -> memref<800x64xf32, #tpu.memory_space<hbm>>
    %dma_wait3A_306 = tpu.memref_slice %arg8[%dma_wait3A_299] : memref<2x!tpu.dma_semaphore, #tpu.memory_space<semaphore_mem>> -> memref<1x!tpu.dma_semaphore, #tpu.memory_space<semaphore_mem>>
    %dma_wait3A_307 = tpu.memref_squeeze %dma_wait3A_306 : memref<1x!tpu.dma_semaphore, #tpu.memory_space<semaphore_mem>> -> memref<!tpu.dma_semaphore, #tpu.memory_space<semaphore_mem>>
    %dma_wait3A_308 = arith.constant 0 : i32
    %dma_wait3A_309 = tpu.memref_slice %arg4[%add3A_281, %dma_wait3A_308] : memref<204800x64xf32, #tpu.memory_space<hbm>> -> memref<800x64xf32, #tpu.memory_space<hbm>>
    %dma_wait3A_310 = arith.constant 0 : i32
    %dma_wait3A_311 = arith.constant 0 : i32
    %dma_wait3A_312 = tpu.memref_slice %arg6[%dma_wait3A_298, %dma_wait3A_310, %dma_wait3A_311] : memref<2x800x64xf32, #tpu.memory_space<vmem>> -> memref<1x800x64xf32, #tpu.memory_space<vmem>>
    %dma_wait3A_313 = tpu.memref_squeeze %dma_wait3A_312 : memref<1x800x64xf32, #tpu.memory_space<vmem>> -> memref<800x64xf32, #tpu.memory_space<vmem>>
    tpu.wait_dma2 semaphore(%dma_wait3A_307 : memref<!tpu.dma_semaphore, #tpu.memory_space<semaphore_mem>>) src(%dma_wait3A_313 : memref<800x64xf32, #tpu.memory_space<vmem>>) dst(%dma_wait3A_309 : memref<800x64xf32, #tpu.memory_space<hbm>>)
    %dma_start3A_314 = arith.constant 0 : i32
    %dma_start3A_315 = arith.constant 0 : i32
    %dma_start3A_316 = arith.constant 0 : i32
    %dma_start3A_317 = arith.constant 0 : i32
    %dma_start3A_318 = tpu.memref_slice %arg6[%dma_start3A_314, %dma_start3A_316, %dma_start3A_317] : memref<2x800x64xf32, #tpu.memory_space<vmem>> -> memref<1x800x64xf32, #tpu.memory_space<vmem>>
    %dma_start3A_319 = tpu.memref_squeeze %dma_start3A_318 : memref<1x800x64xf32, #tpu.memory_space<vmem>> -> memref<800x64xf32, #tpu.memory_space<vmem>>
    %dma_start3A_320 = arith.constant 4800 : i32
    %dma_start3A_321 = tpu.memref_slice %arg5[%dma_start3A_320] : memref<6400xi32, #tpu.memory_space<vmem>> -> memref<800xi32, #tpu.memory_space<vmem>>
    %dma_start3A_322 = arith.constant 0 : i32
    %dma_start3A_323 = arith.constant 0 : i32
    %dma_start3A_324 = tpu.memref_slice %arg3[%dma_start3A_322, %dma_start3A_323] : memref<1000000x64xf32, #tpu.memory_space<hbm>> -> memref<1000000x64xf32, #tpu.memory_space<hbm>>
    %dma_start3A_325 = tpu.memref_slice %arg7[%dma_start3A_315] : memref<2x!tpu.dma_semaphore, #tpu.memory_space<semaphore_mem>> -> memref<1x!tpu.dma_semaphore, #tpu.memory_space<semaphore_mem>>
    %dma_start3A_326 = tpu.memref_squeeze %dma_start3A_325 : memref<1x!tpu.dma_semaphore, #tpu.memory_space<semaphore_mem>> -> memref<!tpu.dma_semaphore, #tpu.memory_space<semaphore_mem>>
    tpu.enqueue_indirect_dma source(%dma_start3A_324 : memref<1000000x64xf32, #tpu.memory_space<hbm>>) target(%dma_start3A_319 : memref<800x64xf32, #tpu.memory_space<vmem>>) offsets(%dma_start3A_321 : memref<800xi32, #tpu.memory_space<vmem>>) semaphore(%dma_start3A_326 : memref<!tpu.dma_semaphore, #tpu.memory_space<semaphore_mem>>)
    %dma_wait3A_327 = arith.constant 1 : i32
    %dma_wait3A_328 = arith.constant 1 : i32
    %dma_wait3A_329 = arith.constant 0 : i32
    %dma_wait3A_330 = arith.constant 0 : i32
    %dma_wait3A_331 = tpu.memref_slice %arg6[%dma_wait3A_327, %dma_wait3A_329, %dma_wait3A_330] : memref<2x800x64xf32, #tpu.memory_space<vmem>> -> memref<1x800x64xf32, #tpu.memory_space<vmem>>
    %dma_wait3A_332 = tpu.memref_squeeze %dma_wait3A_331 : memref<1x800x64xf32, #tpu.memory_space<vmem>> -> memref<800x64xf32, #tpu.memory_space<vmem>>
    %dma_wait3A_333 = arith.constant 4000 : i32
    %dma_wait3A_334 = tpu.memref_slice %arg5[%dma_wait3A_333] : memref<6400xi32, #tpu.memory_space<vmem>> -> memref<800xi32, #tpu.memory_space<vmem>>
    %dma_wait3A_335 = arith.constant 0 : i32
    %dma_wait3A_336 = arith.constant 0 : i32
    %dma_wait3A_337 = tpu.memref_slice %arg3[%dma_wait3A_335, %dma_wait3A_336] : memref<1000000x64xf32, #tpu.memory_space<hbm>> -> memref<1000000x64xf32, #tpu.memory_space<hbm>>
    %dma_wait3A_338 = tpu.memref_slice %arg7[%dma_wait3A_328] : memref<2x!tpu.dma_semaphore, #tpu.memory_space<semaphore_mem>> -> memref<1x!tpu.dma_semaphore, #tpu.memory_space<semaphore_mem>>
    %dma_wait3A_339 = tpu.memref_squeeze %dma_wait3A_338 : memref<1x!tpu.dma_semaphore, #tpu.memory_space<semaphore_mem>> -> memref<!tpu.dma_semaphore, #tpu.memory_space<semaphore_mem>>
    tpu.wait_indirect_dma semaphore(%dma_wait3A_339 : memref<!tpu.dma_semaphore, #tpu.memory_space<semaphore_mem>>) src(%dma_wait3A_337 : memref<1000000x64xf32, #tpu.memory_space<hbm>>) dst(%dma_wait3A_332 : memref<800x64xf32, #tpu.memory_space<vmem>>)
    %add3A_340 = arith.constant 4000 : i32
    %add3A_341 = arith.addi %mul3A_2, %add3A_340 : i32
    %dma_start3A_342 = arith.constant 1 : i32
    %dma_start3A_343 = arith.constant 1 : i32
    %dma_start3A_344 = arith.constant 0 : i32
    %dma_start3A_345 = arith.constant 0 : i32
    %dma_start3A_346 = tpu.memref_slice %arg6[%dma_start3A_342, %dma_start3A_344, %dma_start3A_345] : memref<2x800x64xf32, #tpu.memory_space<vmem>> -> memref<1x800x64xf32, #tpu.memory_space<vmem>>
    %dma_start3A_347 = tpu.memref_squeeze %dma_start3A_346 : memref<1x800x64xf32, #tpu.memory_space<vmem>> -> memref<800x64xf32, #tpu.memory_space<vmem>>
    %dma_start3A_348 = arith.constant 0 : i32
    %dma_start3A_349 = tpu.memref_slice %arg4[%add3A_341, %dma_start3A_348] : memref<204800x64xf32, #tpu.memory_space<hbm>> -> memref<800x64xf32, #tpu.memory_space<hbm>>
    %dma_start3A_350 = tpu.memref_slice %arg8[%dma_start3A_343] : memref<2x!tpu.dma_semaphore, #tpu.memory_space<semaphore_mem>> -> memref<1x!tpu.dma_semaphore, #tpu.memory_space<semaphore_mem>>
    %dma_start3A_351 = tpu.memref_squeeze %dma_start3A_350 : memref<1x!tpu.dma_semaphore, #tpu.memory_space<semaphore_mem>> -> memref<!tpu.dma_semaphore, #tpu.memory_space<semaphore_mem>>
    %dma_start3A_352 = arith.constant 0 : i32
    %dma_start3A_353 = tpu.memref_slice %arg4[%add3A_341, %dma_start3A_352] : memref<204800x64xf32, #tpu.memory_space<hbm>> -> memref<800x64xf32, #tpu.memory_space<hbm>>
    %dma_start3A_354 = arith.constant 0 : i32
    %dma_start3A_355 = arith.constant 0 : i32
    %dma_start3A_356 = tpu.memref_slice %arg6[%dma_start3A_342, %dma_start3A_354, %dma_start3A_355] : memref<2x800x64xf32, #tpu.memory_space<vmem>> -> memref<1x800x64xf32, #tpu.memory_space<vmem>>
    %dma_start3A_357 = tpu.memref_squeeze %dma_start3A_356 : memref<1x800x64xf32, #tpu.memory_space<vmem>> -> memref<800x64xf32, #tpu.memory_space<vmem>>
    tpu.enqueue_dma source(%dma_start3A_357 : memref<800x64xf32, #tpu.memory_space<vmem>>) target(%dma_start3A_353 : memref<800x64xf32, #tpu.memory_space<hbm>>) target_semaphore(%dma_start3A_351 : memref<!tpu.dma_semaphore, #tpu.memory_space<semaphore_mem>>)
    %dma_wait3A_358 = arith.constant 1 : i32
    %dma_wait3A_359 = arith.constant 1 : i32
    %dma_wait3A_360 = arith.constant 0 : i32
    %dma_wait3A_361 = arith.constant 0 : i32
    %dma_wait3A_362 = tpu.memref_slice %arg6[%dma_wait3A_358, %dma_wait3A_360, %dma_wait3A_361] : memref<2x800x64xf32, #tpu.memory_space<vmem>> -> memref<1x800x64xf32, #tpu.memory_space<vmem>>
    %dma_wait3A_363 = tpu.memref_squeeze %dma_wait3A_362 : memref<1x800x64xf32, #tpu.memory_space<vmem>> -> memref<800x64xf32, #tpu.memory_space<vmem>>
    %dma_wait3A_364 = arith.constant 0 : i32
    %dma_wait3A_365 = tpu.memref_slice %arg4[%add3A_341, %dma_wait3A_364] : memref<204800x64xf32, #tpu.memory_space<hbm>> -> memref<800x64xf32, #tpu.memory_space<hbm>>
    %dma_wait3A_366 = tpu.memref_slice %arg8[%dma_wait3A_359] : memref<2x!tpu.dma_semaphore, #tpu.memory_space<semaphore_mem>> -> memref<1x!tpu.dma_semaphore, #tpu.memory_space<semaphore_mem>>
    %dma_wait3A_367 = tpu.memref_squeeze %dma_wait3A_366 : memref<1x!tpu.dma_semaphore, #tpu.memory_space<semaphore_mem>> -> memref<!tpu.dma_semaphore, #tpu.memory_space<semaphore_mem>>
    %dma_wait3A_368 = arith.constant 0 : i32
    %dma_wait3A_369 = tpu.memref_slice %arg4[%add3A_341, %dma_wait3A_368] : memref<204800x64xf32, #tpu.memory_space<hbm>> -> memref<800x64xf32, #tpu.memory_space<hbm>>
    %dma_wait3A_370 = arith.constant 0 : i32
    %dma_wait3A_371 = arith.constant 0 : i32
    %dma_wait3A_372 = tpu.memref_slice %arg6[%dma_wait3A_358, %dma_wait3A_370, %dma_wait3A_371] : memref<2x800x64xf32, #tpu.memory_space<vmem>> -> memref<1x800x64xf32, #tpu.memory_space<vmem>>
    %dma_wait3A_373 = tpu.memref_squeeze %dma_wait3A_372 : memref<1x800x64xf32, #tpu.memory_space<vmem>> -> memref<800x64xf32, #tpu.memory_space<vmem>>
    tpu.wait_dma2 semaphore(%dma_wait3A_367 : memref<!tpu.dma_semaphore, #tpu.memory_space<semaphore_mem>>) src(%dma_wait3A_373 : memref<800x64xf32, #tpu.memory_space<vmem>>) dst(%dma_wait3A_369 : memref<800x64xf32, #tpu.memory_space<hbm>>)
    %dma_start3A_374 = arith.constant 1 : i32
    %dma_start3A_375 = arith.constant 1 : i32
    %dma_start3A_376 = arith.constant 0 : i32
    %dma_start3A_377 = arith.constant 0 : i32
    %dma_start3A_378 = tpu.memref_slice %arg6[%dma_start3A_374, %dma_start3A_376, %dma_start3A_377] : memref<2x800x64xf32, #tpu.memory_space<vmem>> -> memref<1x800x64xf32, #tpu.memory_space<vmem>>
    %dma_start3A_379 = tpu.memref_squeeze %dma_start3A_378 : memref<1x800x64xf32, #tpu.memory_space<vmem>> -> memref<800x64xf32, #tpu.memory_space<vmem>>
    %dma_start3A_380 = arith.constant 5600 : i32
    %dma_start3A_381 = tpu.memref_slice %arg5[%dma_start3A_380] : memref<6400xi32, #tpu.memory_space<vmem>> -> memref<800xi32, #tpu.memory_space<vmem>>
    %dma_start3A_382 = arith.constant 0 : i32
    %dma_start3A_383 = arith.constant 0 : i32
    %dma_start3A_384 = tpu.memref_slice %arg3[%dma_start3A_382, %dma_start3A_383] : memref<1000000x64xf32, #tpu.memory_space<hbm>> -> memref<1000000x64xf32, #tpu.memory_space<hbm>>
    %dma_start3A_385 = tpu.memref_slice %arg7[%dma_start3A_375] : memref<2x!tpu.dma_semaphore, #tpu.memory_space<semaphore_mem>> -> memref<1x!tpu.dma_semaphore, #tpu.memory_space<semaphore_mem>>
    %dma_start3A_386 = tpu.memref_squeeze %dma_start3A_385 : memref<1x!tpu.dma_semaphore, #tpu.memory_space<semaphore_mem>> -> memref<!tpu.dma_semaphore, #tpu.memory_space<semaphore_mem>>
    tpu.enqueue_indirect_dma source(%dma_start3A_384 : memref<1000000x64xf32, #tpu.memory_space<hbm>>) target(%dma_start3A_379 : memref<800x64xf32, #tpu.memory_space<vmem>>) offsets(%dma_start3A_381 : memref<800xi32, #tpu.memory_space<vmem>>) semaphore(%dma_start3A_386 : memref<!tpu.dma_semaphore, #tpu.memory_space<semaphore_mem>>)
    %dma_wait3A_387 = arith.constant 0 : i32
    %dma_wait3A_388 = arith.constant 0 : i32
    %dma_wait3A_389 = arith.constant 0 : i32
    %dma_wait3A_390 = arith.constant 0 : i32
    %dma_wait3A_391 = tpu.memref_slice %arg6[%dma_wait3A_387, %dma_wait3A_389, %dma_wait3A_390] : memref<2x800x64xf32, #tpu.memory_space<vmem>> -> memref<1x800x64xf32, #tpu.memory_space<vmem>>
    %dma_wait3A_392 = tpu.memref_squeeze %dma_wait3A_391 : memref<1x800x64xf32, #tpu.memory_space<vmem>> -> memref<800x64xf32, #tpu.memory_space<vmem>>
    %dma_wait3A_393 = arith.constant 4800 : i32
    %dma_wait3A_394 = tpu.memref_slice %arg5[%dma_wait3A_393] : memref<6400xi32, #tpu.memory_space<vmem>> -> memref<800xi32, #tpu.memory_space<vmem>>
    %dma_wait3A_395 = arith.constant 0 : i32
    %dma_wait3A_396 = arith.constant 0 : i32
    %dma_wait3A_397 = tpu.memref_slice %arg3[%dma_wait3A_395, %dma_wait3A_396] : memref<1000000x64xf32, #tpu.memory_space<hbm>> -> memref<1000000x64xf32, #tpu.memory_space<hbm>>
    %dma_wait3A_398 = tpu.memref_slice %arg7[%dma_wait3A_388] : memref<2x!tpu.dma_semaphore, #tpu.memory_space<semaphore_mem>> -> memref<1x!tpu.dma_semaphore, #tpu.memory_space<semaphore_mem>>
    %dma_wait3A_399 = tpu.memref_squeeze %dma_wait3A_398 : memref<1x!tpu.dma_semaphore, #tpu.memory_space<semaphore_mem>> -> memref<!tpu.dma_semaphore, #tpu.memory_space<semaphore_mem>>
    tpu.wait_indirect_dma semaphore(%dma_wait3A_399 : memref<!tpu.dma_semaphore, #tpu.memory_space<semaphore_mem>>) src(%dma_wait3A_397 : memref<1000000x64xf32, #tpu.memory_space<hbm>>) dst(%dma_wait3A_392 : memref<800x64xf32, #tpu.memory_space<vmem>>)
    %add3A_400 = arith.constant 4800 : i32
    %add3A_401 = arith.addi %mul3A_2, %add3A_400 : i32
    %dma_start3A_402 = arith.constant 0 : i32
    %dma_start3A_403 = arith.constant 0 : i32
    %dma_start3A_404 = arith.constant 0 : i32
    %dma_start3A_405 = arith.constant 0 : i32
    %dma_start3A_406 = tpu.memref_slice %arg6[%dma_start3A_402, %dma_start3A_404, %dma_start3A_405] : memref<2x800x64xf32, #tpu.memory_space<vmem>> -> memref<1x800x64xf32, #tpu.memory_space<vmem>>
    %dma_start3A_407 = tpu.memref_squeeze %dma_start3A_406 : memref<1x800x64xf32, #tpu.memory_space<vmem>> -> memref<800x64xf32, #tpu.memory_space<vmem>>
    %dma_start3A_408 = arith.constant 0 : i32
    %dma_start3A_409 = tpu.memref_slice %arg4[%add3A_401, %dma_start3A_408] : memref<204800x64xf32, #tpu.memory_space<hbm>> -> memref<800x64xf32, #tpu.memory_space<hbm>>
    %dma_start3A_410 = tpu.memref_slice %arg8[%dma_start3A_403] : memref<2x!tpu.dma_semaphore, #tpu.memory_space<semaphore_mem>> -> memref<1x!tpu.dma_semaphore, #tpu.memory_space<semaphore_mem>>
    %dma_start3A_411 = tpu.memref_squeeze %dma_start3A_410 : memref<1x!tpu.dma_semaphore, #tpu.memory_space<semaphore_mem>> -> memref<!tpu.dma_semaphore, #tpu.memory_space<semaphore_mem>>
    %dma_start3A_412 = arith.constant 0 : i32
    %dma_start3A_413 = tpu.memref_slice %arg4[%add3A_401, %dma_start3A_412] : memref<204800x64xf32, #tpu.memory_space<hbm>> -> memref<800x64xf32, #tpu.memory_space<hbm>>
    %dma_start3A_414 = arith.constant 0 : i32
    %dma_start3A_415 = arith.constant 0 : i32
    %dma_start3A_416 = tpu.memref_slice %arg6[%dma_start3A_402, %dma_start3A_414, %dma_start3A_415] : memref<2x800x64xf32, #tpu.memory_space<vmem>> -> memref<1x800x64xf32, #tpu.memory_space<vmem>>
    %dma_start3A_417 = tpu.memref_squeeze %dma_start3A_416 : memref<1x800x64xf32, #tpu.memory_space<vmem>> -> memref<800x64xf32, #tpu.memory_space<vmem>>
    tpu.enqueue_dma source(%dma_start3A_417 : memref<800x64xf32, #tpu.memory_space<vmem>>) target(%dma_start3A_413 : memref<800x64xf32, #tpu.memory_space<hbm>>) target_semaphore(%dma_start3A_411 : memref<!tpu.dma_semaphore, #tpu.memory_space<semaphore_mem>>)
    %dma_wait3A_418 = arith.constant 1 : i32
    %dma_wait3A_419 = arith.constant 1 : i32
    %dma_wait3A_420 = arith.constant 0 : i32
    %dma_wait3A_421 = arith.constant 0 : i32
    %dma_wait3A_422 = tpu.memref_slice %arg6[%dma_wait3A_418, %dma_wait3A_420, %dma_wait3A_421] : memref<2x800x64xf32, #tpu.memory_space<vmem>> -> memref<1x800x64xf32, #tpu.memory_space<vmem>>
    %dma_wait3A_423 = tpu.memref_squeeze %dma_wait3A_422 : memref<1x800x64xf32, #tpu.memory_space<vmem>> -> memref<800x64xf32, #tpu.memory_space<vmem>>
    %dma_wait3A_424 = arith.constant 5600 : i32
    %dma_wait3A_425 = tpu.memref_slice %arg5[%dma_wait3A_424] : memref<6400xi32, #tpu.memory_space<vmem>> -> memref<800xi32, #tpu.memory_space<vmem>>
    %dma_wait3A_426 = arith.constant 0 : i32
    %dma_wait3A_427 = arith.constant 0 : i32
    %dma_wait3A_428 = tpu.memref_slice %arg3[%dma_wait3A_426, %dma_wait3A_427] : memref<1000000x64xf32, #tpu.memory_space<hbm>> -> memref<1000000x64xf32, #tpu.memory_space<hbm>>
    %dma_wait3A_429 = tpu.memref_slice %arg7[%dma_wait3A_419] : memref<2x!tpu.dma_semaphore, #tpu.memory_space<semaphore_mem>> -> memref<1x!tpu.dma_semaphore, #tpu.memory_space<semaphore_mem>>
    %dma_wait3A_430 = tpu.memref_squeeze %dma_wait3A_429 : memref<1x!tpu.dma_semaphore, #tpu.memory_space<semaphore_mem>> -> memref<!tpu.dma_semaphore, #tpu.memory_space<semaphore_mem>>
    tpu.wait_indirect_dma semaphore(%dma_wait3A_430 : memref<!tpu.dma_semaphore, #tpu.memory_space<semaphore_mem>>) src(%dma_wait3A_428 : memref<1000000x64xf32, #tpu.memory_space<hbm>>) dst(%dma_wait3A_423 : memref<800x64xf32, #tpu.memory_space<vmem>>)
    %add3A_431 = arith.constant 5600 : i32
    %add3A_432 = arith.addi %mul3A_2, %add3A_431 : i32
    %dma_start3A_433 = arith.constant 1 : i32
    %dma_start3A_434 = arith.constant 1 : i32
    %dma_start3A_435 = arith.constant 0 : i32
    %dma_start3A_436 = arith.constant 0 : i32
    %dma_start3A_437 = tpu.memref_slice %arg6[%dma_start3A_433, %dma_start3A_435, %dma_start3A_436] : memref<2x800x64xf32, #tpu.memory_space<vmem>> -> memref<1x800x64xf32, #tpu.memory_space<vmem>>
    %dma_start3A_438 = tpu.memref_squeeze %dma_start3A_437 : memref<1x800x64xf32, #tpu.memory_space<vmem>> -> memref<800x64xf32, #tpu.memory_space<vmem>>
    %dma_start3A_439 = arith.constant 0 : i32
    %dma_start3A_440 = tpu.memref_slice %arg4[%add3A_432, %dma_start3A_439] : memref<204800x64xf32, #tpu.memory_space<hbm>> -> memref<800x64xf32, #tpu.memory_space<hbm>>
    %dma_start3A_441 = tpu.memref_slice %arg8[%dma_start3A_434] : memref<2x!tpu.dma_semaphore, #tpu.memory_space<semaphore_mem>> -> memref<1x!tpu.dma_semaphore, #tpu.memory_space<semaphore_mem>>
    %dma_start3A_442 = tpu.memref_squeeze %dma_start3A_441 : memref<1x!tpu.dma_semaphore, #tpu.memory_space<semaphore_mem>> -> memref<!tpu.dma_semaphore, #tpu.memory_space<semaphore_mem>>
    %dma_start3A_443 = arith.constant 0 : i32
    %dma_start3A_444 = tpu.memref_slice %arg4[%add3A_432, %dma_start3A_443] : memref<204800x64xf32, #tpu.memory_space<hbm>> -> memref<800x64xf32, #tpu.memory_space<hbm>>
    %dma_start3A_445 = arith.constant 0 : i32
    %dma_start3A_446 = arith.constant 0 : i32
    %dma_start3A_447 = tpu.memref_slice %arg6[%dma_start3A_433, %dma_start3A_445, %dma_start3A_446] : memref<2x800x64xf32, #tpu.memory_space<vmem>> -> memref<1x800x64xf32, #tpu.memory_space<vmem>>
    %dma_start3A_448 = tpu.memref_squeeze %dma_start3A_447 : memref<1x800x64xf32, #tpu.memory_space<vmem>> -> memref<800x64xf32, #tpu.memory_space<vmem>>
    tpu.enqueue_dma source(%dma_start3A_448 : memref<800x64xf32, #tpu.memory_space<vmem>>) target(%dma_start3A_444 : memref<800x64xf32, #tpu.memory_space<hbm>>) target_semaphore(%dma_start3A_442 : memref<!tpu.dma_semaphore, #tpu.memory_space<semaphore_mem>>)
    %dma_wait3A_449 = arith.constant 0 : i32
    %dma_wait3A_450 = arith.constant 0 : i32
    %dma_wait3A_451 = arith.constant 0 : i32
    %dma_wait3A_452 = arith.constant 0 : i32
    %dma_wait3A_453 = tpu.memref_slice %arg6[%dma_wait3A_449, %dma_wait3A_451, %dma_wait3A_452] : memref<2x800x64xf32, #tpu.memory_space<vmem>> -> memref<1x800x64xf32, #tpu.memory_space<vmem>>
    %dma_wait3A_454 = tpu.memref_squeeze %dma_wait3A_453 : memref<1x800x64xf32, #tpu.memory_space<vmem>> -> memref<800x64xf32, #tpu.memory_space<vmem>>
    %dma_wait3A_455 = arith.constant 0 : i32
    %dma_wait3A_456 = tpu.memref_slice %arg4[%add3A_401, %dma_wait3A_455] : memref<204800x64xf32, #tpu.memory_space<hbm>> -> memref<800x64xf32, #tpu.memory_space<hbm>>
    %dma_wait3A_457 = tpu.memref_slice %arg8[%dma_wait3A_450] : memref<2x!tpu.dma_semaphore, #tpu.memory_space<semaphore_mem>> -> memref<1x!tpu.dma_semaphore, #tpu.memory_space<semaphore_mem>>
    %dma_wait3A_458 = tpu.memref_squeeze %dma_wait3A_457 : memref<1x!tpu.dma_semaphore, #tpu.memory_space<semaphore_mem>> -> memref<!tpu.dma_semaphore, #tpu.memory_space<semaphore_mem>>
    %dma_wait3A_459 = arith.constant 0 : i32
    %dma_wait3A_460 = tpu.memref_slice %arg4[%add3A_401, %dma_wait3A_459] : memref<204800x64xf32, #tpu.memory_space<hbm>> -> memref<800x64xf32, #tpu.memory_space<hbm>>
    %dma_wait3A_461 = arith.constant 0 : i32
    %dma_wait3A_462 = arith.constant 0 : i32
    %dma_wait3A_463 = tpu.memref_slice %arg6[%dma_wait3A_449, %dma_wait3A_461, %dma_wait3A_462] : memref<2x800x64xf32, #tpu.memory_space<vmem>> -> memref<1x800x64xf32, #tpu.memory_space<vmem>>
    %dma_wait3A_464 = tpu.memref_squeeze %dma_wait3A_463 : memref<1x800x64xf32, #tpu.memory_space<vmem>> -> memref<800x64xf32, #tpu.memory_space<vmem>>
    tpu.wait_dma2 semaphore(%dma_wait3A_458 : memref<!tpu.dma_semaphore, #tpu.memory_space<semaphore_mem>>) src(%dma_wait3A_464 : memref<800x64xf32, #tpu.memory_space<vmem>>) dst(%dma_wait3A_460 : memref<800x64xf32, #tpu.memory_space<hbm>>)
    %dma_wait3A_465 = arith.constant 1 : i32
    %dma_wait3A_466 = arith.constant 1 : i32
    %dma_wait3A_467 = arith.constant 0 : i32
    %dma_wait3A_468 = arith.constant 0 : i32
    %dma_wait3A_469 = tpu.memref_slice %arg6[%dma_wait3A_465, %dma_wait3A_467, %dma_wait3A_468] : memref<2x800x64xf32, #tpu.memory_space<vmem>> -> memref<1x800x64xf32, #tpu.memory_space<vmem>>
    %dma_wait3A_470 = tpu.memref_squeeze %dma_wait3A_469 : memref<1x800x64xf32, #tpu.memory_space<vmem>> -> memref<800x64xf32, #tpu.memory_space<vmem>>
    %dma_wait3A_471 = arith.constant 0 : i32
    %dma_wait3A_472 = tpu.memref_slice %arg4[%add3A_432, %dma_wait3A_471] : memref<204800x64xf32, #tpu.memory_space<hbm>> -> memref<800x64xf32, #tpu.memory_space<hbm>>
    %dma_wait3A_473 = tpu.memref_slice %arg8[%dma_wait3A_466] : memref<2x!tpu.dma_semaphore, #tpu.memory_space<semaphore_mem>> -> memref<1x!tpu.dma_semaphore, #tpu.memory_space<semaphore_mem>>
    %dma_wait3A_474 = tpu.memref_squeeze %dma_wait3A_473 : memref<1x!tpu.dma_semaphore, #tpu.memory_space<semaphore_mem>> -> memref<!tpu.dma_semaphore, #tpu.memory_space<semaphore_mem>>
    %dma_wait3A_475 = arith.constant 0 : i32
    %dma_wait3A_476 = tpu.memref_slice %arg4[%add3A_432, %dma_wait3A_475] : memref<204800x64xf32, #tpu.memory_space<hbm>> -> memref<800x64xf32, #tpu.memory_space<hbm>>
    %dma_wait3A_477 = arith.constant 0 : i32
    %dma_wait3A_478 = arith.constant 0 : i32
    %dma_wait3A_479 = tpu.memref_slice %arg6[%dma_wait3A_465, %dma_wait3A_477, %dma_wait3A_478] : memref<2x800x64xf32, #tpu.memory_space<vmem>> -> memref<1x800x64xf32, #tpu.memory_space<vmem>>
    %dma_wait3A_480 = tpu.memref_squeeze %dma_wait3A_479 : memref<1x800x64xf32, #tpu.memory_space<vmem>> -> memref<800x64xf32, #tpu.memory_space<vmem>>
    tpu.wait_dma2 semaphore(%dma_wait3A_474 : memref<!tpu.dma_semaphore, #tpu.memory_space<semaphore_mem>>) src(%dma_wait3A_480 : memref<800x64xf32, #tpu.memory_space<vmem>>) dst(%dma_wait3A_476 : memref<800x64xf32, #tpu.memory_space<hbm>>)
    return
  }
}

</mosaic_0001>

<sc_bundles>
// kernel: _embed.3.cloned.1.call-start
scs
__scs_entry_jumppad:
0x0: {  	(pc) =	sbr.rel $0x88, $3  }
0x1: {  	(tag) =	ssettag $0x0;
	lr =	simm.s32 $0x1  }
0x2: {  	[smem:$0x3F9F] =	sst lr;
	_ =	strace $0xD0000000  }
0x3: {  	_ = 	snop  }
0x4: {  	_ = 	snop  }
0x5: {  	_ = 	snop  }
0x6: {  	_ = 	snop  }
0x7: {  	_ = 	snop  }
__scs_overlays_trampoline_lowered:
0x8: {  	[smem:$0x3FAE] =	sst s0  }
0x9: {  	[smem:$0x3FAF] =	sst s1  }
0xa: {  	[smem:$0x3FB0] =	sst s2  }
0xb: {  	[smem:$0x3FB1] =	sst s3  }
0xc: {  	[smem:$0x3FB2] =	sst s4  }
0xd: {  	[smem:$0x3FB3] =	sst s5  }
0xe: {  	[smem:$0x3FB4] =	sst s6  }
0xf: {  	[smem:$0x3FB5] =	sst s7  }
0x10: {  	[smem:$0x3FB6] =	sst s8  }
0x11: {  	[smem:$0x3FB7] =	sst s9;
	s0 =	simm.s32 @!p0 $0x0  }
0x12: {  	s1 =	sld [smem:$0x3F9D];
	s0 =	simm.s32 @p0 $0x1  }
0x13: {  	[smem:$0x3FB8] =	sst s0;
	s0 =	simm.s32 @!p1 $0x0  }
0x14: {  	s2 =	sld [smem:$0x3F9C];
	s0 =	simm.s32 @p1 $0x1  }
0x15: {  	[smem:$0x3FB9] =	sst s0;
	s0 =	simm.s32 @!p2 $0x0  }
0x16: {  	s3 =	sld [smem:$0x3FDB];
	s0 =	simm.s32 @p2 $0x1  }
0x17: {  	s4 =	simm.s32 $0x1BF5;
	[smem:$0x3FBB] =	sst s0  }
0x18: {  	s0 =	sld [smem:$0x3F9E];
	_ =	swait.ge [sflag:s4], $0x0  }
0x19: {  	s7 =	sld [smem:$0x3F9F]  }
0x1a: {  	s8 =	sadd.s32 $0xFFFFE003, lr  }
0x1b: {  	s9 =	sadd.s32 $0xFFFFFEF7, lr;
	s5 =	simm.s32 $0xFFFFFFFF;
	p2 =	slt.u32 s8, $0xFFFFF086  }
0x1c: {  	p1 =	slt.u32 s9, $0xF7A;
	s5 =	simm.s32 @!p2 $0x0  }
0x1d: {  	s5 =	simm.s32 @p1 $0x1;
	p0 =	seq.s32 s7, s2  }
0x1e: {  	s7 =	smul.u32 @!p0 $0xF7A, s2;
	p2 =	seq.s32 @!p0 s5, $0x0  }
0x1f: {  	s9 =	smul.u32 $0xF7A, s1;
	s8 =	simm.s32 @!p0 $0x1BF5;
	p2 =	por !p2, p0  }
0x20: {  	[sflag:s8] =	ssyncset.s32 @!p0 $0xFFFFF086;
	s6 =	sadd.s32 @!p0 s3, s7;
	s7 =	simm.s32 @!p0 $0x108  }
0x21: {  	s3 =	sadd.s32 s3, s9;
	s6 =	sadd.s32 @!p0 $0x88, s6;
	s7 =	simm.s32 @p2 $0x1082  }
0x22: {  	[simem:s7], [sflag:s8] =	dma.local @!p0 [hbm:s6], $0xF7A  }
0x23: {  	s9 =	sor.u32 $0xD0000000, s2;
	s6 =	simm.s32 $0x108;
	_ =	swait.ge @!p0 [sflag:s8], $0x0  }
0x24: {  	s3 =	sadd.s32 $0x88, s3;
	s6 =	simm.s32 @!p1 $0x1082;
	[sflag:s4] =	ssyncset.s32 $0xFFFFF086  }
0x25: {  	[simem:s6], [sflag:s4] =	dma.local [hbm:s3], $0xF7A  }
0x26: {  	[smem:$0x3F9F] =	sst s1;
	(tag) =	ssettag s2;
	_ =	strace s9  }
0x27: {  	s1 =	sld [smem:$0x3FAF]  }
0x28: {  	s2 =	sld [smem:$0x3FB0]  }
0x29: {  	s4 =	sld [smem:$0x3FB2]  }
0x2a: {  	p0 =	seq.s32 s5, $0x0;
	s5 =	sld [smem:$0x3FB3]  }
0x2b: {  	s6 =	sld [smem:$0x3FB4]  }
0x2c: {  	s7 =	sld [smem:$0x3FB5]  }
0x2d: {  	s3 =	simm.s32 $0x108;
	s8 =	sld [smem:$0x3FB6]  }
0x2e: {  	s3 =	simm.s32 @!p0 $0x1082;
	s9 =	sld [smem:$0x3FB7]  }
0x2f: {  	lr =	sadd.s32 s0, s3;
	s0 =	sld [smem:$0x3FAE]  }
0x30: {  	s3 =	sld [smem:$0x3FB1]  }
0x31: {  	[smem:$0x3FBA] =	sst s10  }
0x32: {  	s10 =	sld [smem:$0x3FB8];
	_ =	sdelay $0x3  }
0x33: {  	p0 =	seq.s32 s10, $0x1;
	s10 =	sld [smem:$0x3FBA];
	_ =	sdelay $0x3  }
0x34: {  	[smem:$0x3FBA] =	sst s10  }
0x35: {  	s10 =	sld [smem:$0x3FB9];
	_ =	sdelay $0x3  }
0x36: {  	p1 =	seq.s32 s10, $0x1;
	s10 =	sld [smem:$0x3FBA];
	_ =	sdelay $0x3  }
0x37: {  	[smem:$0x3FBA] =	sst s10  }
0x38: {  	s10 =	sld [smem:$0x3FBB]  }
0x39: {  	_ = 	snop;
	(pc) =	sbr.ind lr, $3  }
0x3a: {  	_ = 	snop  }
0x3b: {  	_ = 	snop  }
0x3c: {  	p2 =	seq.s32 s10, $0x1;
	s10 =	sld [smem:$0x3FBA]  }
0x3d: {  	_ =	shalt  }
0x3e: {  	_ =	shalt  }
0x3f: {  	_ =	shalt  }
0x40: {  	_ =	shalt  }
0x41: {  	_ =	shalt  }
0x42: {  	_ =	shalt  }
0x43: {  	_ =	shalt  }
0x44: {  	_ =	shalt  }
0x45: {  	_ =	shalt  }
0x46: {  	_ =	shalt  }
0x47: {  	_ =	shalt  }
0x48: {  	_ =	shalt  }
0x49: {  	_ =	shalt  }
0x4a: {  	_ =	shalt  }
0x4b: {  	_ =	shalt  }
0x4c: {  	_ =	shalt  }
0x4d: {  	_ =	shalt  }
0x4e: {  	_ =	shalt  }
0x4f: {  	_ =	shalt  }
0x50: {  	_ =	shalt  }
0x51: {  	_ =	shalt  }
0x52: {  	_ =	shalt  }
0x53: {  	_ =	shalt  }
0x54: {  	_ =	shalt  }
0x55: {  	_ =	shalt  }
0x56: {  	_ =	shalt  }
0x57: {  	_ =	shalt  }
0x58: {  	_ =	shalt  }
0x59: {  	_ =	shalt  }
0x5a: {  	_ =	shalt  }
0x5b: {  	_ =	shalt  }
0x5c: {  	_ =	shalt  }
0x5d: {  	_ =	shalt  }
0x5e: {  	_ =	shalt  }
0x5f: {  	_ =	shalt  }
0x60: {  	_ =	shalt  }
0x61: {  	_ =	shalt  }
0x62: {  	_ =	shalt  }
0x63: {  	_ =	shalt  }
0x64: {  	_ =	shalt  }
0x65: {  	_ =	shalt  }
0x66: {  	_ =	shalt  }
0x67: {  	_ =	shalt  }
0x68: {  	_ =	shalt  }
0x69: {  	_ =	shalt  }
0x6a: {  	_ =	shalt  }
0x6b: {  	_ =	shalt  }
0x6c: {  	_ =	shalt  }
0x6d: {  	_ =	shalt  }
0x6e: {  	_ =	shalt  }
0x6f: {  	_ =	shalt  }
0x70: {  	_ =	shalt  }
0x71: {  	_ =	shalt  }
0x72: {  	_ =	shalt  }
0x73: {  	_ =	shalt  }
0x74: {  	_ =	shalt  }
0x75: {  	_ =	shalt  }
0x76: {  	_ =	shalt  }
0x77: {  	_ =	shalt  }
0x78: {  	_ =	shalt  }
0x79: {  	_ =	shalt  }
0x7a: {  	_ =	shalt  }
0x7b: {  	_ =	shalt  }
0x7c: {  	_ =	shalt  }
0x7d: {  	_ =	shalt  }
0x7e: {  	_ =	shalt  }
0x7f: {  	_ =	shalt  }
0x80: {  	_ =	shalt  }
0x81: {  	_ =	shalt  }
0x82: {  	_ =	shalt  }
0x83: {  	_ =	shalt  }
0x84: {  	_ =	shalt  }
0x85: {  	_ =	shalt  }
0x86: {  	_ =	shalt  }
0x87: {  	_ =	shalt  }
.Lfunc_end0:
.L_simem_size_0:
called_computation.1_lowered:
.L_overlay_start_0:
0x88: {  	s2 =	sld [smem:$0x3FD9]  }
0x89: {  	s3 =	sld [smem:$0x3FFE];
	_ =	sdelay $0x1  }
0x8a: {  	s1 =	srdreg.scid  }
0x8b: {  	s0 =	sand.u32 $0x1, s1  }
0x8c: {  	s17 =	sshll.u32 s0, $0xA;
	s2 =	sadd.s32 s3, s2  }
0x8d: {  	s2 =	sadd.s32 s2, s17  }
0x8e: {  	[smem:$0x3FC6] =	sst s2  }
0x8f: {  	_ = 	snop  }
0x90: {  	s2 =	sld [smem:$0x3FC9]  }
0x91: {  	s18 =	sld [smem:$0x3FD0];
	(tm) =	ssettm $0x1  }
0x92: {  	s4 =	sld [smem:$0x3FFB];
	_ =	sdelay $0x3  }
0x93: {  	_ =	strace s4  }
0x94: {  	s4 =	sld [smem:$0x3FFC];
	_ =	sdelay $0x3  }
0x95: {  	_ =	strace s4  }
0x96: {  	s4 =	sld [smem:$0x3FFD];
	_ =	sdelay $0x3  }
0x97: {  	_ =	strace s4  }
0x98: {  	_ =	strace $0x8FFFFFFF  }
0x99: {  	s19 =	sld [smem:$0x3FDB];
	_ =	sdelay $0x1  }
0x9a: {  	s5 =	simm.s32 $_scs_section_size  }
0x9b: {  	s6 =	simm.s32 $_size__tile_overlayer_lowered;
	s7 =	simm.s32 $_tile_overlayer_lowered  }
0x9c: {  	s22 =	simm.s32 $0x1BFF;
	s21 =	sshll.u32 s7, $0x1;
	s4 =	sadd.s32 s5, s19  }
0x9d: {  	s8 =	simm.s32 $0x0;
	s20 =	sshll.u32 s6, $0x1;
	s6 =	sadd.s32 s21, s4  }
0x9e: {  	[timem:s8], [sflag:s22] =	dma.local [hbm:s6], s20  }
0x9f: {  	_ =	swait.ge [sflag:s22], s20  }
0xa0: {  	s5 =	ssub.s32 $0x0, s20;
	[sflag:s22] =	ssyncset.done $0x0  }
0xa1: {  	[sflag:s22] =	ssyncadd.s32 s5;
	_ =	sdelay $0x1  }
0xa2: {  	s23 =	simm.s32 $0x1B8B  }
0xa3: {  	_ =	swait.ge [sflag:s23], $0x1  }
0xa4: {  	[sflag:s23] =	ssyncset.done $0x0  }
0xa5: {  	s25 =	simm.s32 $0x1B8E;
	s24 =	sld [smem:$0x3FFE];
	[sflag:s23] =	ssyncadd.s32 $0xFFFFFFFF  }
0xa6: {  	s26 =	simm.s32 $execute0_lowered;
	[smem:$0x3FD2] =	sst s25  }
0xa7: {  	s6 =	sshll.u32 s26, $0x1;
	_ =	strace $0x80000046;
	[dreg:$0x1] =	wrdreg $0xFFFFFFFF  }
0xa8: {  	s28 =	simm.s32 $_size_execute0_lowered;
	s4 =	sadd.s32 s4, s6;
	[dreg:$0x0] =	wrdreg $0x0  }
0xa9: {  	s6 =	sshll.u32 s28, $0x1;
	[dreg:$0x2] =	wrdreg s4  }
0xaa: {  	[dreg:$0x3] =	wrdreg s6  }
0xab: {  	[dreg:$0x4] =	wrdreg $0xC0  }
0xac: {  	_ =	task [dreg:s8], $0x5FFFF  }
0xad: {  	[dreg:$0x1] =	wrdreg $0xFFFFFFFF  }
0xae: {  	[dreg:$0x0] =	wrdreg $0x60  }
0xaf: {  	[dreg:$0x2] =	wrdreg s2  }
0xb0: {  	[dreg:$0x3] =	wrdreg s24  }
0xb1: {  	[dreg:$0x4] =	wrdreg s18  }
0xb2: {  	[dreg:$0x5] =	wrdreg $0x9  }
0xb3: {  	_ =	task.clear_ibuf [dreg:s8], $0x6FFFF;
	_ =	strace $0x90000046  }
0xb4: {  	s29 =	simm.s32 $0x9;
	_ =	strace $0x80000048  }
0xb5: {  	_ =	swait.ge [sflag:s29], $0x1  }
0xb6: {  	[sflag:s29] =	ssyncadd.s32 $0xFFFFFFFF  }
0xb7: {  	_ =	strace $0x90000048  }
0xb8: {  	_ =	sfence  }
0xb9: {  	s30 =	sld [smem:$0x0];
	_ =	sdelay $0x2  }
0xba: {  	s31 =	sshll.u32 s1, $0xD;
	s1 =	sshrl.u32 s1, $0x2  }
0xbb: {  	s3 =	sand.u32 $0x4000, s31;
	s1 =	sadd.s32 s1, s30  }
0xbc: {  	s0 =	sor.u32 s3, s0;
	s1 =	sshll.u32 s1, $0x11  }
0xbd: {  	s0 =	sor.u32 s1, s0  }
0xbe: {  	s0 =	sadd.s32 $0x8F2B, s0  }
0xbf: {  	[sflag:s0] =	ssyncadd.remote.s32 $0x1  }
0xc0: {  	_ =	sfence.sel $0xFFFF  }
0xc1: {  	[dreg:$0x0] =	wrdreg $0xFFFFFFFF;
	(pc) =	sbr.abs _section_cstart, $3  }
0xc2: {  	[dreg:$0x1] =	wrdreg $0xFFFFFFFF  }
0xc3: {  	_ =	task.clear_ibuf [dreg:s8], $0x2FFFF;
	_ =	strace $0x9FFFFFFF  }
0xc4: {  	(tm) =	ssettm $0x7FFFFFFF  }
0xc5: {  	_ =	shalt  }
tec
execute0_lowered:
.L_overlay_start_1:
0x0: {  	(tag) =	ssettag $0x1  }
0x1: {  	s3 =	rddreg [dreg:$0x0]  }
0x2: {  	s1 =	srdreg.scid;
	s0 =	stileid.u32  }
0x3: {  	s5 =	rddreg [dreg:$0x1];
	s26 =	sand.u32 $0x1, s1;
	s31 =	sshll.u32 s0, $0x1  }
0x4: {  	s14 =	rddreg [dreg:$0x2];
	s12 =	sor.u32 s26, s31  }
0x5: {  	s2 =	simm.s32 $0x0;
	s1 =	rddreg [dreg:$0x3];
	s4 =	smul.u32 $0x320, s12  }
0x6: {  	[smem:$0x7FF] =	sst s2  }
0x7: {  	_ =	strace $0x80000047;
	s3 =	sadd.s32 s3, s4;
	s4 =	simm.s32 $0x5  }
0x8: {  	[tilespmem:s2], [sflag:$0x5] =	stream.linear.gather [hbm4b:s3+s2], $0x1900, $0x38;
	[tilespmem:$0x1A900] =	vst v63  }
0x9: {  	_ =	swait.ge [sflag:s4], $0x1900  }
0xa: {  	s6 =	simm.s32 $0x320;
	[sflag:s4] =	ssyncset.done $0x0  }
0xb: {  	s7 =	simm.s32 $0x1900;
	s5 =	sadd.s32 $0xF42C00, s5;
	[sflag:s4] =	ssyncadd.s32 $0xFFFFE700  }
0xc: {  	[tilespmem:s7], [sflag:$0x1] =	stream.indirect.gather [hbm4b:s5+s6], $0x40, s2, s6, $0xb8;
	[tilespmem:$0x1A900] =	vst v63  }
0xd: {  	s8 =	simm.s32 $0xE100;
	s9 =	simm.s32 $0x1  }
0xe: {  	[tilespmem:s8], [sflag:$0x2] =	stream.indirect.gather [hbm4b:s5+s6], $0x40, s6, s6, $0xb8;
	[tilespmem:$0x1A900] =	vst v63  }
0xf: {  	s10 =	smul.u32 $0xC800, s12;
	_ =	swait.ge [sflag:s9], $0xC800  }
0x10: {  	[sflag:s9] =	ssyncset.done $0x0  }
0x11: {  	s11 =	simm.s32 $0x3;
	s10 =	sadd.s32 s14, s10;
	[sflag:s9] =	ssyncadd.s32 $0xFFFF3800  }
0x12: {  	[hbm4b:s10+s2] =	stream.linear.scatter [tilespmem:s7], [sflag:$0x3], $0xC800, $0x38;
	[tilespmem:$0x1A900] =	vst v63  }
0x13: {  	_ =	swait.ge [sflag:s11], $0xC800  }
0x14: {  	s13 =	simm.s32 $0x2;
	[sflag:s11] =	ssyncset.done $0x0  }
0x15: {  	s15 =	smul.u32 $0x64000, s12;
	s12 =	simm.s32 $0x640;
	[sflag:s11] =	ssyncadd.s32 $0xFFFF3800  }
0x16: {  	[tilespmem:s7], [sflag:$0x1] =	stream.indirect.gather [hbm4b:s5+s6], $0x40, s12, s6, $0xb8;
	[tilespmem:$0x1A900] =	vst v63  }
0x17: {  	s15 =	sshrl.u32 s15, $0x3;
	_ =	swait.ge [sflag:s13], $0xC800  }
0x18: {  	s28 =	sadd.s32 s14, s15;
	[sflag:s13] =	ssyncset.done $0x0  }
0x19: {  	s14 =	simm.s32 $0x4;
	s15 =	sadd.s32 $0x1900, s28;
	[sflag:s13] =	ssyncadd.s32 $0xFFFF3800  }
0x1a: {  	[hbm4b:s15+s2] =	stream.linear.scatter [tilespmem:s8], [sflag:$0x4], $0xC800, $0x38;
	[tilespmem:$0x1A900] =	vst v63  }
0x1b: {  	_ =	swait.ge [sflag:s14], $0xC800  }
0x1c: {  	[sflag:s14] =	ssyncset.done $0x0  }
0x1d: {  	s16 =	simm.s32 $0x960;
	[sflag:s14] =	ssyncadd.s32 $0xFFFF3800  }
0x1e: {  	[tilespmem:s8], [sflag:$0x2] =	stream.indirect.gather [hbm4b:s5+s6], $0x40, s16, s6, $0xb8;
	[tilespmem:$0x1A900] =	vst v63  }
0x1f: {  	_ =	swait.ge [sflag:s9], $0xC800  }
0x20: {  	[sflag:s9] =	ssyncset.done $0x0  }
0x21: {  	s17 =	sadd.s32 $0x3200, s28;
	[sflag:s9] =	ssyncadd.s32 $0xFFFF3800  }
0x22: {  	[hbm4b:s17+s2] =	stream.linear.scatter [tilespmem:s7], [sflag:$0x3], $0xC800, $0x38;
	[tilespmem:$0x1A900] =	vst v63  }
0x23: {  	_ =	swait.ge [sflag:s11], $0xC800  }
0x24: {  	[sflag:s11] =	ssyncset.done $0x0  }
0x25: {  	s18 =	simm.s32 $0xC80;
	[sflag:s11] =	ssyncadd.s32 $0xFFFF3800  }
0x26: {  	[tilespmem:s7], [sflag:$0x1] =	stream.indirect.gather [hbm4b:s5+s6], $0x40, s18, s6, $0xb8;
	[tilespmem:$0x1A900] =	vst v63  }
0x27: {  	_ =	swait.ge [sflag:s13], $0xC800  }
0x28: {  	[sflag:s13] =	ssyncset.done $0x0  }
0x29: {  	s19 =	sadd.s32 $0x4B00, s28;
	[sflag:s13] =	ssyncadd.s32 $0xFFFF3800  }
0x2a: {  	[hbm4b:s19+s2] =	stream.linear.scatter [tilespmem:s8], [sflag:$0x4], $0xC800, $0x38;
	[tilespmem:$0x1A900] =	vst v63  }
0x2b: {  	_ =	swait.ge [sflag:s14], $0xC800  }
0x2c: {  	[sflag:s14] =	ssyncset.done $0x0  }
0x2d: {  	s20 =	simm.s32 $0xFA0;
	[sflag:s14] =	ssyncadd.s32 $0xFFFF3800  }
0x2e: {  	[tilespmem:s8], [sflag:$0x2] =	stream.indirect.gather [hbm4b:s5+s6], $0x40, s20, s6, $0xb8;
	[tilespmem:$0x1A900] =	vst v63  }
0x2f: {  	_ =	swait.ge [sflag:s9], $0xC800  }
0x30: {  	[sflag:s9] =	ssyncset.done $0x0  }
0x31: {  	s21 =	sadd.s32 $0x6400, s28;
	[sflag:s9] =	ssyncadd.s32 $0xFFFF3800  }
0x32: {  	[hbm4b:s21+s2] =	stream.linear.scatter [tilespmem:s7], [sflag:$0x3], $0xC800, $0x38;
	[tilespmem:$0x1A900] =	vst v63  }
0x33: {  	_ =	swait.ge [sflag:s11], $0xC800  }
0x34: {  	[sflag:s11] =	ssyncset.done $0x0  }
0x35: {  	s22 =	simm.s32 $0x12C0;
	[sflag:s11] =	ssyncadd.s32 $0xFFFF3800  }
0x36: {  	[tilespmem:s7], [sflag:$0x1] =	stream.indirect.gather [hbm4b:s5+s6], $0x40, s22, s6, $0xb8;
	[tilespmem:$0x1A900] =	vst v63  }
0x37: {  	_ =	swait.ge [sflag:s13], $0xC800  }
0x38: {  	[sflag:s13] =	ssyncset.done $0x0  }
0x39: {  	s23 =	sadd.s32 $0x7D00, s28;
	[sflag:s13] =	ssyncadd.s32 $0xFFFF3800  }
0x3a: {  	[hbm4b:s23+s2] =	stream.linear.scatter [tilespmem:s8], [sflag:$0x4], $0xC800, $0x38;
	[tilespmem:$0x1A900] =	vst v63  }
0x3b: {  	_ =	swait.ge [sflag:s14], $0xC800  }
0x3c: {  	[sflag:s14] =	ssyncset.done $0x0  }
0x3d: {  	s24 =	simm.s32 $0x15E0;
	[sflag:s14] =	ssyncadd.s32 $0xFFFF3800  }
0x3e: {  	[tilespmem:s8], [sflag:$0x2] =	stream.indirect.gather [hbm4b:s5+s6], $0x40, s24, s6, $0xb8;
	[tilespmem:$0x1A900] =	vst v63  }
0x3f: {  	_ =	swait.ge [sflag:s9], $0xC800  }
0x40: {  	s29 =	ssub.s32 $0x2, s26;
	s25 =	sadd.s32 $0x9600, s28;
	[sflag:s9] =	ssyncset.done $0x0  }
0x41: {  	s26 =	sadd.s32 $0xAF00, s28;
	s28 =	sshrl.u32 s29, $0x1;
	[sflag:s9] =	ssyncadd.s32 $0xFFFF3800  }
0x42: {  	[hbm4b:s25+s2] =	stream.linear.scatter [tilespmem:s7], [sflag:$0x3], $0xC800, $0x38;
	[tilespmem:$0x1A900] =	vst v63  }
0x43: {  	s28 =	ssub.s32 s29, s28;
	_ =	swait.ge [sflag:s13], $0xC800  }
0x44: {  	s28 =	smax.u32 s28, $0x1;
	[sflag:s13] =	ssyncset.done $0x0  }
0x45: {  	p0 =	sne.s32 s28, $0x1;
	[sflag:s13] =	ssyncadd.s32 $0xFFFF3800  }
0x46: {  	[hbm4b:s26+s2] =	stream.linear.scatter [tilespmem:s8], [sflag:$0x4], $0xC800, $0x38;
	[tilespmem:$0x1A900] =	vst v63  }
.Ltmp0:
0x47: {  	_ =	swait.ge [sflag:s11], $0xC800;
	(pc) =	sbr.rel @!p0 .LBB2_2-.Ltmp0, $4  }
0x48: {  	[sflag:s11] =	ssyncset.done $0x0  }
0x49: {  	[sflag:s11] =	ssyncadd.s32 $0xFFFF3800  }
0x4a: {  	_ =	swait.ge [sflag:s14], $0xC800  }
0x4b: {  	s28 =	sadd.s32 $0xFFFFFFFF, s28;
	[sflag:s14] =	ssyncset.done $0x0  }
.LBB2_1:
0x4c: {  	p0 =	sne.s32 s28, $0x1;
	s28 =	sadd.s32 $0xFFFFFFFF, s28;
	[sflag:s14] =	ssyncadd.s32 $0xFFFF3800  }
0x4d: {  	[tilespmem:s2], [sflag:$0x5] =	stream.linear.gather [hbm4b:s3+s2], $0x1900, $0x38;
	[tilespmem:$0x1A900] =	vst v63  }
0x4e: {  	_ =	swait.ge [sflag:s4], $0x1900  }
0x4f: {  	[sflag:s4] =	ssyncset.done $0x0  }
0x50: {  	[sflag:s4] =	ssyncadd.s32 $0xFFFFE700  }
0x51: {  	[tilespmem:s7], [sflag:$0x1] =	stream.indirect.gather [hbm4b:s5+s6], $0x40, s2, s6, $0xb8;
	[tilespmem:$0x1A900] =	vst v63  }
0x52: {  	_ = 	snop  }
0x53: {  	[tilespmem:s8], [sflag:$0x2] =	stream.indirect.gather [hbm4b:s5+s6], $0x40, s6, s6, $0xb8;
	[tilespmem:$0x1A900] =	vst v63  }
0x54: {  	_ =	swait.ge [sflag:s9], $0xC800  }
0x55: {  	[sflag:s9] =	ssyncset.done $0x0  }
0x56: {  	[sflag:s9] =	ssyncadd.s32 $0xFFFF3800  }
0x57: {  	[hbm4b:s10+s2] =	stream.linear.scatter [tilespmem:s7], [sflag:$0x3], $0xC800, $0x38;
	[tilespmem:$0x1A900] =	vst v63  }
0x58: {  	_ =	swait.ge [sflag:s11], $0xC800  }
0x59: {  	[sflag:s11] =	ssyncset.done $0x0  }
0x5a: {  	[sflag:s11] =	ssyncadd.s32 $0xFFFF3800  }
0x5b: {  	[tilespmem:s7], [sflag:$0x1] =	stream.indirect.gather [hbm4b:s5+s6], $0x40, s12, s6, $0xb8;
	[tilespmem:$0x1A900] =	vst v63  }
0x5c: {  	_ =	swait.ge [sflag:s13], $0xC800  }
0x5d: {  	[sflag:s13] =	ssyncset.done $0x0  }
0x5e: {  	[sflag:s13] =	ssyncadd.s32 $0xFFFF3800  }
0x5f: {  	[hbm4b:s15+s2] =	stream.linear.scatter [tilespmem:s8], [sflag:$0x4], $0xC800, $0x38;
	[tilespmem:$0x1A900] =	vst v63  }
0x60: {  	_ =	swait.ge [sflag:s14], $0xC800  }
0x61: {  	[sflag:s14] =	ssyncset.done $0x0  }
0x62: {  	[sflag:s14] =	ssyncadd.s32 $0xFFFF3800  }
0x63: {  	[tilespmem:s8], [sflag:$0x2] =	stream.indirect.gather [hbm4b:s5+s6], $0x40, s16, s6, $0xb8;
	[tilespmem:$0x1A900] =	vst v63  }
0x64: {  	_ =	swait.ge [sflag:s9], $0xC800  }
0x65: {  	[sflag:s9] =	ssyncset.done $0x0  }
0x66: {  	[sflag:s9] =	ssyncadd.s32 $0xFFFF3800  }
0x67: {  	[hbm4b:s17+s2] =	stream.linear.scatter [tilespmem:s7], [sflag:$0x3], $0xC800, $0x38;
	[tilespmem:$0x1A900] =	vst v63  }
0x68: {  	_ =	swait.ge [sflag:s11], $0xC800  }
0x69: {  	[sflag:s11] =	ssyncset.done $0x0  }
0x6a: {  	[sflag:s11] =	ssyncadd.s32 $0xFFFF3800  }
0x6b: {  	[tilespmem:s7], [sflag:$0x1] =	stream.indirect.gather [hbm4b:s5+s6], $0x40, s18, s6, $0xb8;
	[tilespmem:$0x1A900] =	vst v63  }
0x6c: {  	_ =	swait.ge [sflag:s13], $0xC800  }
0x6d: {  	[sflag:s13] =	ssyncset.done $0x0  }
0x6e: {  	[sflag:s13] =	ssyncadd.s32 $0xFFFF3800  }
0x6f: {  	[hbm4b:s19+s2] =	stream.linear.scatter [tilespmem:s8], [sflag:$0x4], $0xC800, $0x38;
	[tilespmem:$0x1A900] =	vst v63  }
0x70: {  	_ =	swait.ge [sflag:s14], $0xC800  }
0x71: {  	[sflag:s14] =	ssyncset.done $0x0  }
0x72: {  	[sflag:s14] =	ssyncadd.s32 $0xFFFF3800  }
0x73: {  	[tilespmem:s8], [sflag:$0x2] =	stream.indirect.gather [hbm4b:s5+s6], $0x40, s20, s6, $0xb8;
	[tilespmem:$0x1A900] =	vst v63  }
0x74: {  	_ =	swait.ge [sflag:s9], $0xC800  }
0x75: {  	[sflag:s9] =	ssyncset.done $0x0  }
0x76: {  	[sflag:s9] =	ssyncadd.s32 $0xFFFF3800  }
0x77: {  	[hbm4b:s21+s2] =	stream.linear.scatter [tilespmem:s7], [sflag:$0x3], $0xC800, $0x38;
	[tilespmem:$0x1A900] =	vst v63  }
0x78: {  	_ =	swait.ge [sflag:s11], $0xC800  }
0x79: {  	[sflag:s11] =	ssyncset.done $0x0  }
0x7a: {  	[sflag:s11] =	ssyncadd.s32 $0xFFFF3800  }
0x7b: {  	[tilespmem:s7], [sflag:$0x1] =	stream.indirect.gather [hbm4b:s5+s6], $0x40, s22, s6, $0xb8;
	[tilespmem:$0x1A900] =	vst v63  }
0x7c: {  	_ =	swait.ge [sflag:s13], $0xC800  }
0x7d: {  	[sflag:s13] =	ssyncset.done $0x0  }
0x7e: {  	[sflag:s13] =	ssyncadd.s32 $0xFFFF3800  }
0x7f: {  	[hbm4b:s23+s2] =	stream.linear.scatter [tilespmem:s8], [sflag:$0x4], $0xC800, $0x38;
	[tilespmem:$0x1A900] =	vst v63  }
0x80: {  	_ =	swait.ge [sflag:s14], $0xC800  }
0x81: {  	[sflag:s14] =	ssyncset.done $0x0  }
0x82: {  	[sflag:s14] =	ssyncadd.s32 $0xFFFF3800  }
0x83: {  	[tilespmem:s8], [sflag:$0x2] =	stream.indirect.gather [hbm4b:s5+s6], $0x40, s24, s6, $0xb8;
	[tilespmem:$0x1A900] =	vst v63  }
0x84: {  	_ =	swait.ge [sflag:s9], $0xC800  }
0x85: {  	[sflag:s9] =	ssyncset.done $0x0  }
0x86: {  	[sflag:s9] =	ssyncadd.s32 $0xFFFF3800  }
0x87: {  	[hbm4b:s25+s2] =	stream.linear.scatter [tilespmem:s7], [sflag:$0x3], $0xC800, $0x38;
	[tilespmem:$0x1A900] =	vst v63  }
0x88: {  	_ =	swait.ge [sflag:s13], $0xC800  }
0x89: {  	[sflag:s13] =	ssyncset.done $0x0  }
0x8a: {  	[sflag:s13] =	ssyncadd.s32 $0xFFFF3800  }
0x8b: {  	[hbm4b:s26+s2] =	stream.linear.scatter [tilespmem:s8], [sflag:$0x4], $0xC800, $0x38;
	[tilespmem:$0x1A900] =	vst v63  }
.Ltmp1:
0x8c: {  	_ =	swait.ge [sflag:s11], $0xC800;
	(pc) =	sbr.rel @p0 .LBB2_1-.Ltmp1, $4  }
0x8d: {  	[sflag:s11] =	ssyncset.done $0x0  }
0x8e: {  	[sflag:s11] =	ssyncadd.s32 $0xFFFF3800  }
0x8f: {  	_ =	swait.ge [sflag:s14], $0xC800  }
0x90: {  	[sflag:s14] =	ssyncset.done $0x0  }
.LBB2_2:
0x91: {  	[sflag:s14] =	ssyncadd.s32 $0xFFFF3800  }
0x92: {  	_ =	sfence.sel $0x180000  }
0x93: {  	[bflag:$0x0] =	sbarrier.arrive $0xFFFF  }
0x94: {  	p0 =	sne.s32 s0, $0x0;
	_ =	strace $0x90000047  }
0x95: {  	s0 =	sadd.s32 @!p0 $0x100000, s1;
	[bflag:$0x2] =	sbarrier.arrive $0xFFFF  }
0x96: {  	[sflag:s0] =	ssyncadd.tile.s32 @!p0 $0x1;
	_ =	shalt  }
.Lfunc_end2:
_tile_overlayer_lowered:
.L_overlay_start_2:
0x97: {  	(tag) =	ssettag $0x2  }
0x98: {  	s0 =	rddreg [dreg:$0x0];
	s2 =	stileid.u32  }
0x99: {  	s1 =	rddreg [dreg:$0x1];
	p0 =	sne.s32 s2, $0x0  }
0x9a: {  	s3 =	rddreg [dreg:$0x2];
	[bflag:$0x3] =	sbarrier.arrive $0xFFFF;
	s2 =	simm.s32 @!p0 $0x1C05  }
0x9b: {  	[timem:s3], [sflag:s2] =	dma.local @!p0 [hbm:s0], s1  }
0x9c: {  	s0 =	simm.s32 @!p0 $0x5  }
0x9d: {  	_ =	swait.ge @!p0 [sflag:s0], s1  }
0x9e: {  	s1 =	ssub.s32 @!p0 $0x0, s1;
	[sflag:s0] =	ssyncset.done @!p0 $0x0  }
0x9f: {  	[sflag:s0] =	ssyncadd.s32 @!p0 s1  }
0xa0: {  	[bflag:$0x3] =	sbarrier.arrive $0xFFFF  }
0xa1: {  	_ =	shalt  }

// kernel: sparse-core-data-format-call.cloned.1.call-start
scs
called_computation_lowered:
.L_overlay_start_0:
0x0: {  	s2 =	sld [smem:$0x3FD9]  }
0x1: {  	s3 =	sld [smem:$0x3FFE];
	_ =	sdelay $0x1  }
0x2: {  	s1 =	srdreg.scid  }
0x3: {  	s0 =	sand.u32 $0x1, s1  }
0x4: {  	s18 =	sshll.u32 s0, $0xA;
	s2 =	sadd.s32 s3, s2  }
0x5: {  	s2 =	sadd.s32 s2, s18  }
0x6: {  	[smem:$0x3FC6] =	sst s2  }
0x7: {  	_ = 	snop  }
0x8: {  	s2 =	sld [smem:$0x3FD0];
	(tm) =	ssettm $0x1  }
0x9: {  	s19 =	sld [smem:$0x3FFB];
	_ =	sdelay $0x3  }
0xa: {  	_ =	strace s19  }
0xb: {  	s3 =	sld [smem:$0x3FFC];
	_ =	sdelay $0x3  }
0xc: {  	_ =	strace s3  }
0xd: {  	s3 =	sld [smem:$0x3FFD];
	_ =	sdelay $0x3  }
0xe: {  	_ =	strace s3  }
0xf: {  	_ =	strace $0x8FFFFFFF  }
0x10: {  	s20 =	sld [smem:$0x3FDB];
	_ =	sdelay $0x1  }
0x11: {  	s4 =	simm.s32 $_scs_section_size  }
0x12: {  	s5 =	simm.s32 $_size__tile_overlayer_lowered;
	s6 =	simm.s32 $_tile_overlayer_lowered  }
0x13: {  	s23 =	simm.s32 $0x1BFF;
	s22 =	sshll.u32 s6, $0x1;
	s3 =	sadd.s32 s4, s20  }
0x14: {  	s7 =	simm.s32 $0x0;
	s21 =	sshll.u32 s5, $0x1;
	s5 =	sadd.s32 s22, s3  }
0x15: {  	[timem:s7], [sflag:s23] =	dma.local [hbm:s5], s21  }
0x16: {  	_ =	swait.ge [sflag:s23], s21  }
0x17: {  	s4 =	ssub.s32 $0x0, s21;
	[sflag:s23] =	ssyncset.done $0x0  }
0x18: {  	[sflag:s23] =	ssyncadd.s32 s4;
	_ =	sdelay $0x1  }
0x19: {  	s24 =	simm.s32 $0x1B8B  }
0x1a: {  	_ =	swait.ge [sflag:s24], $0x1  }
0x1b: {  	[sflag:s24] =	ssyncset.done $0x0  }
0x1c: {  	s26 =	simm.s32 $0x1B8E;
	s25 =	sld [smem:$0x3FFE];
	[sflag:s24] =	ssyncadd.s32 $0xFFFFFFFF  }
0x1d: {  	s27 =	simm.s32 $execute0_lowered;
	[smem:$0x3FD2] =	sst s26  }
0x1e: {  	s5 =	sshll.u32 s27, $0x1;
	_ =	strace $0x80000049;
	[dreg:$0x1] =	wrdreg $0xFFFFFFFF  }
0x1f: {  	s28 =	simm.s32 $_size_execute0_lowered;
	s3 =	sadd.s32 s3, s5;
	[dreg:$0x0] =	wrdreg $0x0  }
0x20: {  	s5 =	sshll.u32 s28, $0x1;
	[dreg:$0x2] =	wrdreg s3  }
0x21: {  	[dreg:$0x3] =	wrdreg s5  }
0x22: {  	[dreg:$0x4] =	wrdreg $0xC0  }
0x23: {  	_ =	task [dreg:s7], $0x5FFFF  }
0x24: {  	[dreg:$0x1] =	wrdreg $0xFFFFFFFF  }
0x25: {  	[dreg:$0x0] =	wrdreg $0x60  }
0x26: {  	[dreg:$0x2] =	wrdreg s25  }
0x27: {  	[dreg:$0x3] =	wrdreg s2  }
0x28: {  	[dreg:$0x4] =	wrdreg $0x9  }
0x29: {  	_ =	task.clear_ibuf [dreg:s7], $0x5FFFF;
	_ =	strace $0x90000049  }
0x2a: {  	s29 =	simm.s32 $0x9;
	_ =	strace $0x8000004B  }
0x2b: {  	_ =	swait.ge [sflag:s29], $0x1  }
0x2c: {  	[sflag:s29] =	ssyncadd.s32 $0xFFFFFFFF  }
0x2d: {  	_ =	strace $0x9000004B  }
0x2e: {  	_ =	sfence  }
0x2f: {  	s30 =	sld [smem:$0x0];
	_ =	sdelay $0x2  }
0x30: {  	s31 =	sshll.u32 s1, $0xD;
	s1 =	sshrl.u32 s1, $0x2  }
0x31: {  	s3 =	sand.u32 $0x4000, s31;
	s1 =	sadd.s32 s1, s30  }
0x32: {  	s0 =	sor.u32 s3, s0;
	s1 =	sshll.u32 s1, $0x11  }
0x33: {  	s0 =	sor.u32 s1, s0  }
0x34: {  	s0 =	sadd.s32 $0x8F2B, s0  }
0x35: {  	[sflag:s0] =	ssyncadd.remote.s32 $0x1  }
0x36: {  	_ =	sfence.sel $0xFFFF  }
0x37: {  	[dreg:$0x0] =	wrdreg $0xFFFFFFFF;
	(pc) =	sbr.abs _section_cstart, $3  }
0x38: {  	[dreg:$0x1] =	wrdreg $0xFFFFFFFF  }
0x39: {  	_ =	task.clear_ibuf [dreg:s7], $0x2FFFF;
	_ =	strace $0x9FFFFFFF  }
0x3a: {  	(tm) =	ssettm $0x7FFFFFFF  }
0x3b: {  	_ =	shalt  }
tec
execute0_lowered:
.L_overlay_start_1:
0x0: {  	(tag) =	ssettag $0x1  }
0x1: {  	s0 =	srdreg.scid  }
0x2: {  	s1 =	sshll.u32 s0, $0x4  }
0x3: {  	s4 =	rddreg [dreg:$0x0];
	s0 =	stileid.u32;
	s1 =	sand.u32 $0x10, s1  }
0x4: {  	s2 =	rddreg [dreg:$0x1];
	s7 =	simm.s32 $0x1;
	s1 =	sor.u32 s0, s1  }
0x5: {  	s8 =	simm.s32 $0x2;
	s11 =	simm.s32 $0x0;
	s3 =	sshll.u32 s1, $0x7  }
0x6: {  	s10 =	simm.s32 $0x0;
	s4 =	sadd.s32 $0x800, s4;
	s6 =	ssub.s32 $0x32000, s3  }
.Ltmp0:
0x7: {  	s1 =	rddreg [dreg:$0x2];
	s5 =	sand.u32 $0xF80, s6;
	(pc) =	sbr.rel .LBB1_1-.Ltmp0, $4  }
0x8: {  	_ =	strace $0x8000004A;
	s9 =	smov.u32 s3;
	p0 =	sne.s32 s5, $0x0  }
0x9: {  	s6 =	sshrl.u32 s6, $0xC;
	s5 =	simm.s32 $0x1;
	s7 =	simm.s32 @!p0 $0x0  }
0xa: {  	[sflag:s5] =	ssyncpa.u1 $0x0;
	p0 =	por $0x0, $0x0;
	s6 =	sadd.s32 s7, s6  }
0xb: {  	[sflag:s8] =	ssyncpa.u1 $0x0;
	s8 =	simm.s32 $0x190000;
	s7 =	sadd.s32 $0x1, s6  }
.LBB1_4:
0xc: {  	s14 =	sshll.u32 s11, $0x3  }
0xd: {  	s30 =	sand.u32 $0x7F, s11;
	s15 =	sand.u32 $0xFFFFFC00, s14  }
0xe: {  	s11 =	sor.u32 s30, s15  }
0xf: {  	s15 =	smulhi.u32 $0x51EB851F, s11  }
0x10: {  	s14 =	smulhi.u32 $0x51EB851F, s14  }
0x11: {  	s15 =	sshrl.u32 s15, $0x10  }
0x12: {  	s14 =	sshrl.u32 s14, $0x10;
	s15 =	smul.u32 $0x32000, s15  }
0x13: {  	s14 =	sand.u32 $0x3F, s14  }
0x14: {  	s14 =	smul.u32 $0x6400, s14;
	s11 =	ssub.s32 s11, s15  }
0x15: {  	[tilespmem:s13+$0x810 ss:$0x81] =	vst.msk $0xffff, v2;
	s15 =	sand.u32 $0x7, s11  }
0x16: {  	[tilespmem:s13+$0x1020 ss:$0x81] =	vst.msk $0xffff, v0;
	s14 =	sadd.s32 s2, s14;
	s11 =	sshrl.u32 s11, $0x3;
	s15 =	sshll.u32 s15, $0x12  }
0x17: {  	[tilespmem:s13+$0x0 ss:$0x81] =	vst.msk $0xffff, v1;
	s11 =	sadd.s32 s11, s14;
	s31 =	sor.u32 $0x400, s15  }
0x18: {  	[hbm4b:s11+s31] =	stream.strided.scatter [tilespmem:s12], [sflag:$0x2], $0x2000, s8, s31, $0x20;
	[tilespmem:$0x8080] =	vst v63  }
.LBB1_5:
0x19: {  	s13 =	sadd.s32 $0x1000, s9  }
0x1a: {  	p2 =	sgt.s32 s13, $0x31FFF  }
0x1b: {  	s13 =	smov.u32 @p2 s3;
	p2 =	sne.s32 s10, s7  }
.Ltmp1:
0x1c: {  	p1 =	slt.u32 s10, $0x2;
	(pc) =	sbr.rel @!p2 .LBB1_6-.Ltmp1, $4  }
0x1d: {  	s12 =	simm.s32 @!p1 $0x2  }
0x1e: {  	s14 =	sadd.s32 $0x1, s10;
	_ =	swait.ge @!p1 [sflag:s12], $0x2000  }
0x1f: {  	s11 =	smov.u32 s9;
	p0 =	por !p0, !p0;
	[sflag:s12] =	ssyncset.done @!p1 $0x0  }
0x20: {  	s10 =	smov.u32 s14;
	s9 =	smov.u32 s13;
	[sflag:s12] =	ssyncadd.s32 @!p1 $0xFFFFE000  }
.LBB1_1:
0x21: {  	p1 =	sge.u32 s10, s6  }
0x22: {  	s12 =	sand.u32 @!p1 $0x1FFFFFF, s9  }
0x23: {  	s13 =	smulhi.u32 @!p1 $0x147AE15, s12;
	_ =	sdelay $0x1  }
0x24: {  	s13 =	sshrl.u32 @!p1 s13, $0xA  }
0x25: {  	s13 =	smul.u32 @!p1 $0x32000, s13;
	_ =	sdelay $0x1  }
0x26: {  	s31 =	sadd.s32 $0xFFFFFFFF, s10;
	s14 =	sxor.u32 @!p1 $0xFFFFFFFF, s10;
	s12 =	ssub.s32 @!p1 s12, s13  }
0x27: {  	s15 =	simm.s32 @!p1 $0x80;
	s14 =	sshll.u32 @!p1 s14, $0xD;
	s12 =	sshll.u32 @!p1 s12, $0x4  }
0x28: {  	s13 =	sand.u32 @!p1 $0x2000, s14;
	s14 =	simm.s32 @!p1 $0x40;
	s12 =	sadd.s32 @!p1 s4, s12  }
0x29: {  	[tilespmem:s13], [sflag:$0x1] =	stream.strided.gather @!p1 [hbm4b:s12+s14], $0x2000, s15, s14, $0x38;
	[tilespmem:$0x8080] =	vst v63  }
0x2a: {  	p1 =	sge.u32 s31, s6  }
.Ltmp2:
0x2b: {  	_ = 	snop;
	(pc) =	sbr.rel @p1 .LBB1_5-.Ltmp2, $1  }
0x2c: {  	_ =	sdelay $0x3  }
0x2d: {  	s12 =	simm.s32 $0x1  }
0x2e: {  	_ =	swait.ge [sflag:s5], $0x2000;
	s12 =	simm.s32 @!p0 $0x0  }
0x2f: {  	[sflag:s5] =	ssyncset.done $0x0;
	s13 =	sshll.u32 s12, $0xD  }
0x30: {  	[sflag:s5] =	ssyncadd.s32 $0xFFFFE000;
	s16 =	sor.u32 $0x20, s13  }
0x31: {  	s12 =	smul.u32 $0x8100, s12;
	v3 =	vld [tilespmem:s16+$0x10]  }
0x32: {  	s30 =	sand.u32 $0x1, s10;
	v2 =	vld [tilespmem:s16+$0xFFFFFFF0]  }
0x33: {  	s13 =	smul.u32 $0x8100, s30;
	s12 =	sshrl.u32 s12, $0x2;
	v0 =	vld [tilespmem:s16+$0x0]  }
0x34: {  	v1 =	vld [tilespmem:s16+$0xFFFFFFE0];
	s14 =	sor.u32 $0x4000, s12  }
0x35: {  	s31 =	sshrl.u32 s13, $0x2;
	s13 =	sadd.s32 $0x0, s14  }
0x36: {  	s15 =	simm.s32 $0x4;
	s16 =	sadd.s32 $0x40, s16;
	s12 =	sor.u32 $0x4000, s31;
	[tilespmem:s13+$0x1830 ss:$0x81] =	vst.msk $0xffff, v3  }
.LBB1_3:
0x37: {  	v3 =	vld [tilespmem:s16+$0x10];
	p1 =	sne.s32 s15, $0x1FC;
	[tilespmem:s13+$0x810 ss:$0x81] =	vst.msk $0xffff, v2;
	s17 =	smov.u32 s15;
	s15 =	sadd.s32 $0x4, s15  }
.Ltmp3:
0x38: {  	v2 =	vld [tilespmem:s16+$0xFFFFFFF0];
	[tilespmem:s13+$0x1020 ss:$0x81] =	vst.msk $0xffff, v0;
	(pc) =	sbr.rel @p1 .LBB1_3-.Ltmp3, $4  }
0x39: {  	v0 =	vld [tilespmem:s16+$0x0];
	[tilespmem:s13+$0x0 ss:$0x81] =	vst.msk $0xffff, v1  }
0x3a: {  	s13 =	sshra.s32 s17, $0x2;
	v1 =	vld [tilespmem:s16+$0xFFFFFFE0]  }
0x3b: {  	s13 =	sadd.s32 s13, s14  }
0x3c: {  	s16 =	sadd.s32 $0x40, s16;
	[tilespmem:s13+$0x1830 ss:$0x81] =	vst.msk $0xffff, v3  }
.Ltmp4:
0x3d: {  	_ = 	snop;
	(pc) =	sbr.rel .LBB1_4-.Ltmp4, $1  }
0x3e: {  	_ =	sdelay $0x3  }
.LBB1_6:
0x3f: {  	_ =	sfence.sel $0x180000  }
0x40: {  	s2 =	simm.s32 $0x1;
	[bflag:$0x0] =	sbarrier.arrive $0xFFFF  }
0x41: {  	s31 =	simm.s32 $0x2;
	[sflag:s2] =	ssyncpa.u1 $0x1  }
0x42: {  	[sflag:s31] =	ssyncpa.u1 $0x1  }
0x43: {  	p0 =	sne.s32 s0, $0x0;
	_ =	strace $0x9000004A  }
0x44: {  	s0 =	sadd.s32 @!p0 $0x100000, s1;
	[bflag:$0x2] =	sbarrier.arrive $0xFFFF  }
0x45: {  	[sflag:s0] =	ssyncadd.tile.s32 @!p0 $0x1;
	_ =	shalt  }
.Lfunc_end1:
_tile_overlayer_lowered:
.L_overlay_start_2:
0x46: {  	(tag) =	ssettag $0x2  }
0x47: {  	s0 =	rddreg [dreg:$0x0];
	s2 =	stileid.u32  }
0x48: {  	s1 =	rddreg [dreg:$0x1];
	p0 =	sne.s32 s2, $0x0  }
0x49: {  	s3 =	rddreg [dreg:$0x2];
	[bflag:$0x3] =	sbarrier.arrive $0xFFFF;
	s2 =	simm.s32 @!p0 $0x1C01  }
0x4a: {  	[timem:s3], [sflag:s2] =	dma.local @!p0 [hbm:s0], s1  }
0x4b: {  	s0 =	simm.s32 @!p0 $0x1  }
0x4c: {  	_ =	swait.ge @!p0 [sflag:s0], s1  }
0x4d: {  	s1 =	ssub.s32 @!p0 $0x0, s1;
	[sflag:s0] =	ssyncset.done @!p0 $0x0  }
0x4e: {  	[sflag:s0] =	ssyncadd.s32 @!p0 s1  }
0x4f: {  	[bflag:$0x3] =	sbarrier.arrive $0xFFFF  }
0x50: {  	_ =	shalt  }

</sc_bundles>
